<compile_context>
chip_gen: v7x
topology: tpu7x:2x2x1
jax: 0.10.2.dev20260603
libtpu: 0.0.44.dev20260713+nightly
codegen_flags: <defaults>
</compile_context>

<pallas_src>
import functools

import jax
import jax.numpy as jnp
from jax import lax
from jax.experimental import pallas as pl
from jax.experimental.pallas import tpu as pltpu
from jax.experimental.pallas import tpu_sc as plsc

L = 16
NW = 8


def _sc_body(x0_h, w1s_h, b1s_h, w2s_h, b2s_h, w1c_h, b1c_h, w2c_h, b2c_h,
             out_h, wa, ba, wb, bb, v_scr, h_scr, p_scr, q_scr, o_scr, shared,
             *, n, d):
    cid = lax.axis_index("c")
    sid = lax.axis_index("s")
    dh = 2 * d // NW
    nc = d // L
    nh = dh // L
    is_spread = cid == 0
    is_worker = sid < NW

    @pl.when(jnp.logical_and(is_worker, is_spread))
    def _():
        pltpu.sync_copy(x0_h, v_scr)
        pltpu.sync_copy(w1s_h.at[sid], wa)
        pltpu.sync_copy(b1s_h.at[sid], ba)
        pltpu.sync_copy(w2s_h.at[sid], wb)
        pltpu.sync_copy(b2s_h, bb)

    @pl.when(jnp.logical_and(is_worker, jnp.logical_not(is_spread)))
    def _():
        pltpu.sync_copy(w1c_h.at[sid], wa)
        pltpu.sync_copy(b1c_h.at[sid], ba)
        pltpu.sync_copy(w2c_h.at[sid], wb)
        pltpu.sync_copy(b2c_h, bb)

    @pl.when(jnp.logical_and(is_worker, sid > 0))
    def _():
        for c in range(nc):
            bb[pl.ds(c * L, L)] = jnp.zeros((L,), jnp.float32)

    dirn = 1 - 2 * cid
    pos0 = 1 + (n - 2) * cid

    def step(ii, pos):
        @pl.when(is_worker)
        def _():
            @pl.when(pos != ii)
            def _():
                for c in range(nc):
                    v_scr[pl.ds(c * L, L)] = jnp.zeros((L,), jnp.float32)

            def body1(jc, acc):
                vchunk = v_scr[pl.ds(jc * L, L)]
                for jl in range(L):
                    bj = jnp.full((L,), vchunk[jl], jnp.float32)
                    acc = tuple(acc[o] + bj * wa[jc * L + jl, pl.ds(o * L, L)]
                                for o in range(nh))
                return acc

            h = lax.fori_loop(0, nc, body1,
                              tuple(ba[pl.ds(o * L, L)] for o in range(nh)))
            for o in range(nh):
                h_scr[pl.ds(o * L, L)] = jnp.maximum(h[o], 0.0)

            def body2(jc, acc):
                vchunk = h_scr[pl.ds(jc * L, L)]
                for jl in range(L):
                    bj = jnp.full((L,), vchunk[jl], jnp.float32)
                    acc = tuple(acc[o] + bj * wb[jc * L + jl, pl.ds(o * L, L)]
                                for o in range(nc))
                return acc

            part = lax.fori_loop(0, nh, body2,
                                 tuple(bb[pl.ds(o * L, L)] for o in range(nc)))
            for o in range(nc):
                p_scr[pl.ds(o * L, L)] = part[o]
            pltpu.sync_copy(p_scr, shared.at[ii % 2, sid])

        plsc.subcore_barrier()

        @pl.when(is_worker)
        def _():
            pltpu.sync_copy(shared.at[ii % 2], q_scr)
            for c in range(nc):
                acc = q_scr[0, pl.ds(c * L, L)]
                for k in range(1, NW):
                    acc = acc + q_scr[k, pl.ds(c * L, L)]
                v_scr[pl.ds(c * L, L)] = acc

        return ii + dirn

    pos = lax.fori_loop(1, n, step, pos0)

    @pl.when(jnp.logical_and(cid == 1, sid == 0))
    def _():
        for c in range(nc):
            o_scr[pl.ds(c * L, L)] = v_scr[pl.ds(c * L, L)]

        @pl.when(pos != 0)
        def _():
            for c in range(nc):
                o_scr[pl.ds(c * L, L)] = jnp.zeros((L,), jnp.float32)

        pltpu.sync_copy(o_scr, out_h)


def kernel(x, num_node, edge_index, W1s, b1s, W2s, b2s, W1c, b1c, W2c, b2c):
    del num_node, edge_index
    n = x.shape[0]
    assert n > 2
    d = W2s.shape[0]
    assert W2c.shape[0] == d and W1s.shape[0] == 2 * d and W1c.shape[0] == 2 * d
    dh = 2 * d // NW
    x0 = jnp.pad(x[0, :], (0, d - x.shape[1]))

    def split1(w1):
        return w1.T.reshape(d, NW, dh).transpose(1, 0, 2)

    def split2(w2):
        return w2.T.reshape(NW, dh, d)

    mesh = plsc.VectorSubcoreMesh(core_axis_name="c", subcore_axis_name="s")
    body = functools.partial(_sc_body, n=n, d=d)
    run = pl.kernel(
        body,
        out_type=jax.ShapeDtypeStruct((d,), jnp.float32),
        mesh=mesh,
        scratch_types=[
            pltpu.VMEM((d, dh), jnp.float32),
            pltpu.VMEM((dh,), jnp.float32),
            pltpu.VMEM((dh, d), jnp.float32),
            pltpu.VMEM((d,), jnp.float32),
            pltpu.VMEM((d,), jnp.float32),
            pltpu.VMEM((dh,), jnp.float32),
            pltpu.VMEM((d,), jnp.float32),
            pltpu.VMEM((NW, d), jnp.float32),
            pltpu.VMEM((d,), jnp.float32),
            pltpu.VMEM_SHARED((2, NW, d), jnp.float32),
        ],
    )
    return run(x0,
               split1(W1s), b1s.reshape(NW, dh), split2(W2s), b2s,
               split1(W1c), b1c.reshape(NW, dh), split2(W2c), b2c)

# --- scband reference (transcript-rebuilt; emitter-appended) ---
"""Pipeline reference for scband-struc-tree-encoder-69965017252556 (READ-ONLY COPY).

The authoritative reference and input builder live on the scoring server;
editing this copy changes nothing except your own understanding.
"""

import jax, jax.numpy as jnp
import numpy as np


def setup_inputs(seed: int = 0) -> dict:
    key = jax.random.key(seed)
    ks = jax.random.split(key, 12)
    N, in_, latent, out_ = 256, 32, 64, 64
    x = jax.random.normal(ks[0], (N, in_), dtype=jnp.float32)
    num_node = N  # python int scalar (unused by the math, kept for signature fidelity)
    edge_index = jax.random.randint(ks[1], (2, 4096), 0, N, dtype=jnp.int32)
    # conv_spread = TreeConv(latent, latent): lin1 latent->2*latent, lin2 2*latent->latent
    W1s = jax.random.normal(ks[2], (2 * latent, latent), dtype=jnp.float32) / np.sqrt(latent)
    b1s = jax.random.normal(ks[3], (2 * latent,), dtype=jnp.float32) * 0.01
    W2s = jax.random.normal(ks[4], (latent, 2 * latent), dtype=jnp.float32) / np.sqrt(2 * latent)
    b2s = jax.random.normal(ks[5], (latent,), dtype=jnp.float32) * 0.01
    # conv_collect = TreeConv(latent, out_): lin1 latent->2*out_, lin2 2*out_->out_
    W1c = jax.random.normal(ks[6], (2 * out_, latent), dtype=jnp.float32) / np.sqrt(latent)
    b1c = jax.random.normal(ks[7], (2 * out_,), dtype=jnp.float32) * 0.01
    W2c = jax.random.normal(ks[8], (out_, 2 * out_), dtype=jnp.float32) / np.sqrt(2 * out_)
    b2c = jax.random.normal(ks[9], (out_,), dtype=jnp.float32) * 0.01
    return {"x": x, "num_node": num_node, "edge_index": edge_index,
            "W1s": W1s, "b1s": b1s, "W2s": W2s, "b2s": b2s,
            "W1c": W1c, "b1c": b1c, "W2c": W2c, "b2c": b2c}


def reference(x, num_node, edge_index, W1s, b1s, W2s, b2s, W1c, b1c, W2c, b2c):
    # StrucTreeEncoder.forward (faithful):
    # 1) ZeroPad2d right-pads x from in_ to latent columns.
    latent = W2s.shape[0]
    N = x.shape[0]
    xp = jnp.pad(x, ((0, 0), (0, latent - x.shape[1])))
    # 2) spread loop: for ii in 0..N-2, x = conv_spread(x, [[ii],[ii+1]])
    #    TreeConv: h = lin2(relu(lin1(x))); propagate(aggr='add') with one edge
    #    produces zeros everywhere except row ii+1 = h[ii] (x is REPLACED).
    def spread_step(xc, ii):
        h = jnp.maximum(xc @ W1s.T + b1s, 0.0) @ W2s.T + b2s
        out = jnp.zeros_like(h).at[ii + 1].add(h[ii]).astype(xc.dtype)
        return out, None
    x1, _ = jax.lax.scan(spread_step, xp, jnp.arange(N - 1))
    # 3) collect loop: for ii in 1..N-1 (enumerate over reversed(x), skip ii==0),
    #    x = conv_collect(x, [[ii],[ii-1]]) -> zeros except row ii-1 = h[ii].
    def collect_step(xc, ii):
        h = jnp.maximum(xc @ W1c.T + b1c, 0.0) @ W2c.T + b2c
        out = jnp.zeros_like(h).at[ii - 1].add(h[ii]).astype(xc.dtype)
        return out, None
    x2, _ = jax.lax.scan(collect_step, x1, jnp.arange(1, N))
    # 4) return x[0]
    return x2[0]

if __name__ == "__main__":
    import jax
    _d = setup_inputs()
    print(jax.jit(kernel)(*tuple(_d.values())))

</pallas_src>

<mosaic_0001>
#map = affine_map<(d0, d1) -> (0)>
#map1 = affine_map<(d0, d1) -> (0, 0, 0)>
#map2 = affine_map<(d0, d1) -> (0, 0)>
module attributes {stable_mosaic.version = 14 : i64} {
  func.func @_sc_body(%arg0: i32, %arg1: i32, %arg2: memref<64xf32, #tpu.memory_space<hbm>>, %arg3: memref<8x64x16xf32, #tpu.memory_space<hbm>>, %arg4: memref<8x16xf32, #tpu.memory_space<hbm>>, %arg5: memref<8x16x64xf32, #tpu.memory_space<hbm>>, %arg6: memref<64xf32, #tpu.memory_space<hbm>>, %arg7: memref<8x64x16xf32, #tpu.memory_space<hbm>>, %arg8: memref<8x16xf32, #tpu.memory_space<hbm>>, %arg9: memref<8x16x64xf32, #tpu.memory_space<hbm>>, %arg10: memref<64xf32, #tpu.memory_space<hbm>>, %arg11: memref<64xf32, #tpu.memory_space<hbm>>, %arg12: memref<64x16xf32, #tpu.memory_space<vmem>>, %arg13: memref<16xf32, #tpu.memory_space<vmem>>, %arg14: memref<16x64xf32, #tpu.memory_space<vmem>>, %arg15: memref<64xf32, #tpu.memory_space<vmem>>, %arg16: memref<64xf32, #tpu.memory_space<vmem>>, %arg17: memref<16xf32, #tpu.memory_space<vmem>>, %arg18: memref<64xf32, #tpu.memory_space<vmem>>, %arg19: memref<8x64xf32, #tpu.memory_space<vmem>>, %arg20: memref<64xf32, #tpu.memory_space<vmem>>, %arg21: memref<2x8x64xf32, #tpu.memory_space<vmem_shared>>) attributes {dimension_semantics = [#tpu.dimension_semantics<core_parallel>, #tpu.dimension_semantics<subcore_parallel>], iteration_bounds = array<i64: 2, 16>, scalar_prefetch = 0 : i64, scratch_operands = 10 : i64, tpu.core_type = #tpu.core_type<sc_vector_subcore>, window_params = [{transform_indices = #map}, {transform_indices = #map1}, {transform_indices = #map2}, {transform_indices = #map1}, {transform_indices = #map}, {transform_indices = #map1}, {transform_indices = #map2}, {transform_indices = #map1}, {transform_indices = #map}, {transform_indices = #map}]} {
    %eq3A = arith.constant 0 : i32
    %eq3A_0 = arith.cmpi eq, %arg0, %eq3A : i32
    %lt3A = arith.constant 8 : i32
    %lt3A_1 = arith.cmpi slt, %arg1, %lt3A : i32
    %and3A = arith.andi %lt3A_1, %eq3A_0 : i1
    %convert_element_type3A = arith.extui %and3A : i1 to i32
    %cond3A = arith.constant 0 : i32
    %cond3A_2 = arith.cmpi ne, %convert_element_type3A, %cond3A : i32
    scf.if %cond3A_2 {
      "tpu.region"() ({
        %run_scoped3A = tpu.sem_alloc : memref<!tpu.dma_semaphore, #tpu.memory_space<semaphore_mem>>
        tpu.enqueue_dma source(%arg2 : memref<64xf32, #tpu.memory_space<hbm>>) target(%arg16 : memref<64xf32, #tpu.memory_space<vmem>>) target_semaphore(%run_scoped3A : memref<!tpu.dma_semaphore, #tpu.memory_space<semaphore_mem>>)
        tpu.wait_dma2 semaphore(%run_scoped3A : memref<!tpu.dma_semaphore, #tpu.memory_space<semaphore_mem>>) src(%arg2 : memref<64xf32, #tpu.memory_space<hbm>>) dst(%arg16 : memref<64xf32, #tpu.memory_space<vmem>>)
        tpu.yield
      }) : () -> ()
      "tpu.region"() ({
        %run_scoped3A = tpu.sem_alloc : memref<!tpu.dma_semaphore, #tpu.memory_space<semaphore_mem>>
        %dma_start3A = arith.constant 0 : i32
        %dma_start3A_31 = arith.constant 0 : i32
        %dma_start3A_32 = tpu.memref_slice %arg3[%arg1, %dma_start3A, %dma_start3A_31] : memref<8x64x16xf32, #tpu.memory_space<hbm>> -> memref<1x64x16xf32, #tpu.memory_space<hbm>>
        %dma_start3A_33 = tpu.memref_squeeze %dma_start3A_32 : memref<1x64x16xf32, #tpu.memory_space<hbm>> -> memref<64x16xf32, #tpu.memory_space<hbm>>
        %dma_start3A_34 = arith.constant 0 : i32
        %dma_start3A_35 = arith.constant 0 : i32
        %dma_start3A_36 = tpu.memref_slice %arg3[%arg1, %dma_start3A_34, %dma_start3A_35] : memref<8x64x16xf32, #tpu.memory_space<hbm>> -> memref<1x64x16xf32, #tpu.memory_space<hbm>>
        %dma_start3A_37 = tpu.memref_squeeze %dma_start3A_36 : memref<1x64x16xf32, #tpu.memory_space<hbm>> -> memref<64x16xf32, #tpu.memory_space<hbm>>
        tpu.enqueue_dma source(%dma_start3A_37 : memref<64x16xf32, #tpu.memory_space<hbm>>) target(%arg12 : memref<64x16xf32, #tpu.memory_space<vmem>>) target_semaphore(%run_scoped3A : memref<!tpu.dma_semaphore, #tpu.memory_space<semaphore_mem>>)
        %dma_wait3A = arith.constant 0 : i32
        %dma_wait3A_38 = arith.constant 0 : i32
        %dma_wait3A_39 = tpu.memref_slice %arg3[%arg1, %dma_wait3A, %dma_wait3A_38] : memref<8x64x16xf32, #tpu.memory_space<hbm>> -> memref<1x64x16xf32, #tpu.memory_space<hbm>>
        %dma_wait3A_40 = tpu.memref_squeeze %dma_wait3A_39 : memref<1x64x16xf32, #tpu.memory_space<hbm>> -> memref<64x16xf32, #tpu.memory_space<hbm>>
        %dma_wait3A_41 = arith.constant 0 : i32
        %dma_wait3A_42 = arith.constant 0 : i32
        %dma_wait3A_43 = tpu.memref_slice %arg3[%arg1, %dma_wait3A_41, %dma_wait3A_42] : memref<8x64x16xf32, #tpu.memory_space<hbm>> -> memref<1x64x16xf32, #tpu.memory_space<hbm>>
        %dma_wait3A_44 = tpu.memref_squeeze %dma_wait3A_43 : memref<1x64x16xf32, #tpu.memory_space<hbm>> -> memref<64x16xf32, #tpu.memory_space<hbm>>
        tpu.wait_dma2 semaphore(%run_scoped3A : memref<!tpu.dma_semaphore, #tpu.memory_space<semaphore_mem>>) src(%dma_wait3A_44 : memref<64x16xf32, #tpu.memory_space<hbm>>) dst(%arg12 : memref<64x16xf32, #tpu.memory_space<vmem>>)
        tpu.yield
      }) : () -> ()
      "tpu.region"() ({
        %run_scoped3A = tpu.sem_alloc : memref<!tpu.dma_semaphore, #tpu.memory_space<semaphore_mem>>
        %dma_start3A = arith.constant 0 : i32
        %dma_start3A_31 = tpu.memref_slice %arg4[%arg1, %dma_start3A] : memref<8x16xf32, #tpu.memory_space<hbm>> -> memref<1x16xf32, #tpu.memory_space<hbm>>
        %dma_start3A_32 = tpu.memref_squeeze %dma_start3A_31 : memref<1x16xf32, #tpu.memory_space<hbm>> -> memref<16xf32, #tpu.memory_space<hbm>>
        %dma_start3A_33 = arith.constant 0 : i32
        %dma_start3A_34 = tpu.memref_slice %arg4[%arg1, %dma_start3A_33] : memref<8x16xf32, #tpu.memory_space<hbm>> -> memref<1x16xf32, #tpu.memory_space<hbm>>
        %dma_start3A_35 = tpu.memref_squeeze %dma_start3A_34 : memref<1x16xf32, #tpu.memory_space<hbm>> -> memref<16xf32, #tpu.memory_space<hbm>>
        tpu.enqueue_dma source(%dma_start3A_35 : memref<16xf32, #tpu.memory_space<hbm>>) target(%arg13 : memref<16xf32, #tpu.memory_space<vmem>>) target_semaphore(%run_scoped3A : memref<!tpu.dma_semaphore, #tpu.memory_space<semaphore_mem>>)
        %dma_wait3A = arith.constant 0 : i32
        %dma_wait3A_36 = tpu.memref_slice %arg4[%arg1, %dma_wait3A] : memref<8x16xf32, #tpu.memory_space<hbm>> -> memref<1x16xf32, #tpu.memory_space<hbm>>
        %dma_wait3A_37 = tpu.memref_squeeze %dma_wait3A_36 : memref<1x16xf32, #tpu.memory_space<hbm>> -> memref<16xf32, #tpu.memory_space<hbm>>
        %dma_wait3A_38 = arith.constant 0 : i32
        %dma_wait3A_39 = tpu.memref_slice %arg4[%arg1, %dma_wait3A_38] : memref<8x16xf32, #tpu.memory_space<hbm>> -> memref<1x16xf32, #tpu.memory_space<hbm>>
        %dma_wait3A_40 = tpu.memref_squeeze %dma_wait3A_39 : memref<1x16xf32, #tpu.memory_space<hbm>> -> memref<16xf32, #tpu.memory_space<hbm>>
        tpu.wait_dma2 semaphore(%run_scoped3A : memref<!tpu.dma_semaphore, #tpu.memory_space<semaphore_mem>>) src(%dma_wait3A_40 : memref<16xf32, #tpu.memory_space<hbm>>) dst(%arg13 : memref<16xf32, #tpu.memory_space<vmem>>)
        tpu.yield
      }) : () -> ()
      "tpu.region"() ({
        %run_scoped3A = tpu.sem_alloc : memref<!tpu.dma_semaphore, #tpu.memory_space<semaphore_mem>>
        %dma_start3A = arith.constant 0 : i32
        %dma_start3A_31 = arith.constant 0 : i32
        %dma_start3A_32 = tpu.memref_slice %arg5[%arg1, %dma_start3A, %dma_start3A_31] : memref<8x16x64xf32, #tpu.memory_space<hbm>> -> memref<1x16x64xf32, #tpu.memory_space<hbm>>
        %dma_start3A_33 = tpu.memref_squeeze %dma_start3A_32 : memref<1x16x64xf32, #tpu.memory_space<hbm>> -> memref<16x64xf32, #tpu.memory_space<hbm>>
        %dma_start3A_34 = arith.constant 0 : i32
        %dma_start3A_35 = arith.constant 0 : i32
        %dma_start3A_36 = tpu.memref_slice %arg5[%arg1, %dma_start3A_34, %dma_start3A_35] : memref<8x16x64xf32, #tpu.memory_space<hbm>> -> memref<1x16x64xf32, #tpu.memory_space<hbm>>
        %dma_start3A_37 = tpu.memref_squeeze %dma_start3A_36 : memref<1x16x64xf32, #tpu.memory_space<hbm>> -> memref<16x64xf32, #tpu.memory_space<hbm>>
        tpu.enqueue_dma source(%dma_start3A_37 : memref<16x64xf32, #tpu.memory_space<hbm>>) target(%arg14 : memref<16x64xf32, #tpu.memory_space<vmem>>) target_semaphore(%run_scoped3A : memref<!tpu.dma_semaphore, #tpu.memory_space<semaphore_mem>>)
        %dma_wait3A = arith.constant 0 : i32
        %dma_wait3A_38 = arith.constant 0 : i32
        %dma_wait3A_39 = tpu.memref_slice %arg5[%arg1, %dma_wait3A, %dma_wait3A_38] : memref<8x16x64xf32, #tpu.memory_space<hbm>> -> memref<1x16x64xf32, #tpu.memory_space<hbm>>
        %dma_wait3A_40 = tpu.memref_squeeze %dma_wait3A_39 : memref<1x16x64xf32, #tpu.memory_space<hbm>> -> memref<16x64xf32, #tpu.memory_space<hbm>>
        %dma_wait3A_41 = arith.constant 0 : i32
        %dma_wait3A_42 = arith.constant 0 : i32
        %dma_wait3A_43 = tpu.memref_slice %arg5[%arg1, %dma_wait3A_41, %dma_wait3A_42] : memref<8x16x64xf32, #tpu.memory_space<hbm>> -> memref<1x16x64xf32, #tpu.memory_space<hbm>>
        %dma_wait3A_44 = tpu.memref_squeeze %dma_wait3A_43 : memref<1x16x64xf32, #tpu.memory_space<hbm>> -> memref<16x64xf32, #tpu.memory_space<hbm>>
        tpu.wait_dma2 semaphore(%run_scoped3A : memref<!tpu.dma_semaphore, #tpu.memory_space<semaphore_mem>>) src(%dma_wait3A_44 : memref<16x64xf32, #tpu.memory_space<hbm>>) dst(%arg14 : memref<16x64xf32, #tpu.memory_space<vmem>>)
        tpu.yield
      }) : () -> ()
      "tpu.region"() ({
        %run_scoped3A = tpu.sem_alloc : memref<!tpu.dma_semaphore, #tpu.memory_space<semaphore_mem>>
        tpu.enqueue_dma source(%arg6 : memref<64xf32, #tpu.memory_space<hbm>>) target(%arg15 : memref<64xf32, #tpu.memory_space<vmem>>) target_semaphore(%run_scoped3A : memref<!tpu.dma_semaphore, #tpu.memory_space<semaphore_mem>>)
        tpu.wait_dma2 semaphore(%run_scoped3A : memref<!tpu.dma_semaphore, #tpu.memory_space<semaphore_mem>>) src(%arg6 : memref<64xf32, #tpu.memory_space<hbm>>) dst(%arg15 : memref<64xf32, #tpu.memory_space<vmem>>)
        tpu.yield
      }) : () -> ()
    } else {
    }
    %not3A = arith.constant true
    %not3A_3 = arith.xori %eq3A_0, %not3A : i1
    %and3A_4 = arith.andi %lt3A_1, %not3A_3 : i1
    %convert_element_type3A_5 = arith.extui %and3A_4 : i1 to i32
    %cond3A_6 = arith.constant 0 : i32
    %cond3A_7 = arith.cmpi ne, %convert_element_type3A_5, %cond3A_6 : i32
    scf.if %cond3A_7 {
      "tpu.region"() ({
        %run_scoped3A = tpu.sem_alloc : memref<!tpu.dma_semaphore, #tpu.memory_space<semaphore_mem>>
        %dma_start3A = arith.constant 0 : i32
        %dma_start3A_31 = arith.constant 0 : i32
        %dma_start3A_32 = tpu.memref_slice %arg7[%arg1, %dma_start3A, %dma_start3A_31] : memref<8x64x16xf32, #tpu.memory_space<hbm>> -> memref<1x64x16xf32, #tpu.memory_space<hbm>>
        %dma_start3A_33 = tpu.memref_squeeze %dma_start3A_32 : memref<1x64x16xf32, #tpu.memory_space<hbm>> -> memref<64x16xf32, #tpu.memory_space<hbm>>
        %dma_start3A_34 = arith.constant 0 : i32
        %dma_start3A_35 = arith.constant 0 : i32
        %dma_start3A_36 = tpu.memref_slice %arg7[%arg1, %dma_start3A_34, %dma_start3A_35] : memref<8x64x16xf32, #tpu.memory_space<hbm>> -> memref<1x64x16xf32, #tpu.memory_space<hbm>>
        %dma_start3A_37 = tpu.memref_squeeze %dma_start3A_36 : memref<1x64x16xf32, #tpu.memory_space<hbm>> -> memref<64x16xf32, #tpu.memory_space<hbm>>
        tpu.enqueue_dma source(%dma_start3A_37 : memref<64x16xf32, #tpu.memory_space<hbm>>) target(%arg12 : memref<64x16xf32, #tpu.memory_space<vmem>>) target_semaphore(%run_scoped3A : memref<!tpu.dma_semaphore, #tpu.memory_space<semaphore_mem>>)
        %dma_wait3A = arith.constant 0 : i32
        %dma_wait3A_38 = arith.constant 0 : i32
        %dma_wait3A_39 = tpu.memref_slice %arg7[%arg1, %dma_wait3A, %dma_wait3A_38] : memref<8x64x16xf32, #tpu.memory_space<hbm>> -> memref<1x64x16xf32, #tpu.memory_space<hbm>>
        %dma_wait3A_40 = tpu.memref_squeeze %dma_wait3A_39 : memref<1x64x16xf32, #tpu.memory_space<hbm>> -> memref<64x16xf32, #tpu.memory_space<hbm>>
        %dma_wait3A_41 = arith.constant 0 : i32
        %dma_wait3A_42 = arith.constant 0 : i32
        %dma_wait3A_43 = tpu.memref_slice %arg7[%arg1, %dma_wait3A_41, %dma_wait3A_42] : memref<8x64x16xf32, #tpu.memory_space<hbm>> -> memref<1x64x16xf32, #tpu.memory_space<hbm>>
        %dma_wait3A_44 = tpu.memref_squeeze %dma_wait3A_43 : memref<1x64x16xf32, #tpu.memory_space<hbm>> -> memref<64x16xf32, #tpu.memory_space<hbm>>
        tpu.wait_dma2 semaphore(%run_scoped3A : memref<!tpu.dma_semaphore, #tpu.memory_space<semaphore_mem>>) src(%dma_wait3A_44 : memref<64x16xf32, #tpu.memory_space<hbm>>) dst(%arg12 : memref<64x16xf32, #tpu.memory_space<vmem>>)
        tpu.yield
      }) : () -> ()
      "tpu.region"() ({
        %run_scoped3A = tpu.sem_alloc : memref<!tpu.dma_semaphore, #tpu.memory_space<semaphore_mem>>
        %dma_start3A = arith.constant 0 : i32
        %dma_start3A_31 = tpu.memref_slice %arg8[%arg1, %dma_start3A] : memref<8x16xf32, #tpu.memory_space<hbm>> -> memref<1x16xf32, #tpu.memory_space<hbm>>
        %dma_start3A_32 = tpu.memref_squeeze %dma_start3A_31 : memref<1x16xf32, #tpu.memory_space<hbm>> -> memref<16xf32, #tpu.memory_space<hbm>>
        %dma_start3A_33 = arith.constant 0 : i32
        %dma_start3A_34 = tpu.memref_slice %arg8[%arg1, %dma_start3A_33] : memref<8x16xf32, #tpu.memory_space<hbm>> -> memref<1x16xf32, #tpu.memory_space<hbm>>
        %dma_start3A_35 = tpu.memref_squeeze %dma_start3A_34 : memref<1x16xf32, #tpu.memory_space<hbm>> -> memref<16xf32, #tpu.memory_space<hbm>>
        tpu.enqueue_dma source(%dma_start3A_35 : memref<16xf32, #tpu.memory_space<hbm>>) target(%arg13 : memref<16xf32, #tpu.memory_space<vmem>>) target_semaphore(%run_scoped3A : memref<!tpu.dma_semaphore, #tpu.memory_space<semaphore_mem>>)
        %dma_wait3A = arith.constant 0 : i32
        %dma_wait3A_36 = tpu.memref_slice %arg8[%arg1, %dma_wait3A] : memref<8x16xf32, #tpu.memory_space<hbm>> -> memref<1x16xf32, #tpu.memory_space<hbm>>
        %dma_wait3A_37 = tpu.memref_squeeze %dma_wait3A_36 : memref<1x16xf32, #tpu.memory_space<hbm>> -> memref<16xf32, #tpu.memory_space<hbm>>
        %dma_wait3A_38 = arith.constant 0 : i32
        %dma_wait3A_39 = tpu.memref_slice %arg8[%arg1, %dma_wait3A_38] : memref<8x16xf32, #tpu.memory_space<hbm>> -> memref<1x16xf32, #tpu.memory_space<hbm>>
        %dma_wait3A_40 = tpu.memref_squeeze %dma_wait3A_39 : memref<1x16xf32, #tpu.memory_space<hbm>> -> memref<16xf32, #tpu.memory_space<hbm>>
        tpu.wait_dma2 semaphore(%run_scoped3A : memref<!tpu.dma_semaphore, #tpu.memory_space<semaphore_mem>>) src(%dma_wait3A_40 : memref<16xf32, #tpu.memory_space<hbm>>) dst(%arg13 : memref<16xf32, #tpu.memory_space<vmem>>)
        tpu.yield
      }) : () -> ()
      "tpu.region"() ({
        %run_scoped3A = tpu.sem_alloc : memref<!tpu.dma_semaphore, #tpu.memory_space<semaphore_mem>>
        %dma_start3A = arith.constant 0 : i32
        %dma_start3A_31 = arith.constant 0 : i32
        %dma_start3A_32 = tpu.memref_slice %arg9[%arg1, %dma_start3A, %dma_start3A_31] : memref<8x16x64xf32, #tpu.memory_space<hbm>> -> memref<1x16x64xf32, #tpu.memory_space<hbm>>
        %dma_start3A_33 = tpu.memref_squeeze %dma_start3A_32 : memref<1x16x64xf32, #tpu.memory_space<hbm>> -> memref<16x64xf32, #tpu.memory_space<hbm>>
        %dma_start3A_34 = arith.constant 0 : i32
        %dma_start3A_35 = arith.constant 0 : i32
        %dma_start3A_36 = tpu.memref_slice %arg9[%arg1, %dma_start3A_34, %dma_start3A_35] : memref<8x16x64xf32, #tpu.memory_space<hbm>> -> memref<1x16x64xf32, #tpu.memory_space<hbm>>
        %dma_start3A_37 = tpu.memref_squeeze %dma_start3A_36 : memref<1x16x64xf32, #tpu.memory_space<hbm>> -> memref<16x64xf32, #tpu.memory_space<hbm>>
        tpu.enqueue_dma source(%dma_start3A_37 : memref<16x64xf32, #tpu.memory_space<hbm>>) target(%arg14 : memref<16x64xf32, #tpu.memory_space<vmem>>) target_semaphore(%run_scoped3A : memref<!tpu.dma_semaphore, #tpu.memory_space<semaphore_mem>>)
        %dma_wait3A = arith.constant 0 : i32
        %dma_wait3A_38 = arith.constant 0 : i32
        %dma_wait3A_39 = tpu.memref_slice %arg9[%arg1, %dma_wait3A, %dma_wait3A_38] : memref<8x16x64xf32, #tpu.memory_space<hbm>> -> memref<1x16x64xf32, #tpu.memory_space<hbm>>
        %dma_wait3A_40 = tpu.memref_squeeze %dma_wait3A_39 : memref<1x16x64xf32, #tpu.memory_space<hbm>> -> memref<16x64xf32, #tpu.memory_space<hbm>>
        %dma_wait3A_41 = arith.constant 0 : i32
        %dma_wait3A_42 = arith.constant 0 : i32
        %dma_wait3A_43 = tpu.memref_slice %arg9[%arg1, %dma_wait3A_41, %dma_wait3A_42] : memref<8x16x64xf32, #tpu.memory_space<hbm>> -> memref<1x16x64xf32, #tpu.memory_space<hbm>>
        %dma_wait3A_44 = tpu.memref_squeeze %dma_wait3A_43 : memref<1x16x64xf32, #tpu.memory_space<hbm>> -> memref<16x64xf32, #tpu.memory_space<hbm>>
        tpu.wait_dma2 semaphore(%run_scoped3A : memref<!tpu.dma_semaphore, #tpu.memory_space<semaphore_mem>>) src(%dma_wait3A_44 : memref<16x64xf32, #tpu.memory_space<hbm>>) dst(%arg14 : memref<16x64xf32, #tpu.memory_space<vmem>>)
        tpu.yield
      }) : () -> ()
      "tpu.region"() ({
        %run_scoped3A = tpu.sem_alloc : memref<!tpu.dma_semaphore, #tpu.memory_space<semaphore_mem>>
        tpu.enqueue_dma source(%arg10 : memref<64xf32, #tpu.memory_space<hbm>>) target(%arg15 : memref<64xf32, #tpu.memory_space<vmem>>) target_semaphore(%run_scoped3A : memref<!tpu.dma_semaphore, #tpu.memory_space<semaphore_mem>>)
        tpu.wait_dma2 semaphore(%run_scoped3A : memref<!tpu.dma_semaphore, #tpu.memory_space<semaphore_mem>>) src(%arg10 : memref<64xf32, #tpu.memory_space<hbm>>) dst(%arg15 : memref<64xf32, #tpu.memory_space<vmem>>)
        tpu.yield
      }) : () -> ()
    } else {
    }
    %gt3A = arith.constant 0 : i32
    %gt3A_8 = arith.cmpi sgt, %arg1, %gt3A : i32
    %and3A_9 = arith.andi %lt3A_1, %gt3A_8 : i1
    %convert_element_type3A_10 = arith.extui %and3A_9 : i1 to i32
    %cond3A_11 = arith.constant 0 : i32
    %cond3A_12 = arith.cmpi ne, %convert_element_type3A_10, %cond3A_11 : i32
    scf.if %cond3A_12 {
      %broadcast_in_dim3A = arith.constant 0.000000e+00 : f32
      %broadcast_in_dim3A_31 = vector.broadcast %broadcast_in_dim3A : f32 to vector<16xf32>
      %swap3A = arith.constant 0 : index
      %swap3A_32 = tpu.vector_load %arg15[%swap3A] {strides = array<i32>} : memref<64xf32, #tpu.memory_space<vmem>>, vector<16xf32>,
      %swap3A_33 = vector.shape_cast %swap3A_32 : vector<16xf32> to vector<16xf32>
      %swap3A_34 = vector.shape_cast %broadcast_in_dim3A_31 : vector<16xf32> to vector<16xf32>
      tpu.vector_store %arg15[%swap3A], %swap3A_34 {strides = array<i32>} : memref<64xf32, #tpu.memory_space<vmem>>, vector<16xf32>,
      %broadcast_in_dim3A_35 = arith.constant 0.000000e+00 : f32
      %broadcast_in_dim3A_36 = vector.broadcast %broadcast_in_dim3A_35 : f32 to vector<16xf32>
      %swap3A_37 = arith.constant 16 : index
      %swap3A_38 = tpu.vector_load %arg15[%swap3A_37] {strides = array<i32>} : memref<64xf32, #tpu.memory_space<vmem>>, vector<16xf32>,
      %swap3A_39 = vector.shape_cast %swap3A_38 : vector<16xf32> to vector<16xf32>
      %swap3A_40 = vector.shape_cast %broadcast_in_dim3A_36 : vector<16xf32> to vector<16xf32>
      tpu.vector_store %arg15[%swap3A_37], %swap3A_40 {strides = array<i32>} : memref<64xf32, #tpu.memory_space<vmem>>, vector<16xf32>,
      %broadcast_in_dim3A_41 = arith.constant 0.000000e+00 : f32
      %broadcast_in_dim3A_42 = vector.broadcast %broadcast_in_dim3A_41 : f32 to vector<16xf32>
      %swap3A_43 = arith.constant 32 : index
      %swap3A_44 = tpu.vector_load %arg15[%swap3A_43] {strides = array<i32>} : memref<64xf32, #tpu.memory_space<vmem>>, vector<16xf32>,
      %swap3A_45 = vector.shape_cast %swap3A_44 : vector<16xf32> to vector<16xf32>
      %swap3A_46 = vector.shape_cast %broadcast_in_dim3A_42 : vector<16xf32> to vector<16xf32>
      tpu.vector_store %arg15[%swap3A_43], %swap3A_46 {strides = array<i32>} : memref<64xf32, #tpu.memory_space<vmem>>, vector<16xf32>,
      %broadcast_in_dim3A_47 = arith.constant 0.000000e+00 : f32
      %broadcast_in_dim3A_48 = vector.broadcast %broadcast_in_dim3A_47 : f32 to vector<16xf32>
      %swap3A_49 = arith.constant 48 : index
      %swap3A_50 = tpu.vector_load %arg15[%swap3A_49] {strides = array<i32>} : memref<64xf32, #tpu.memory_space<vmem>>, vector<16xf32>,
      %swap3A_51 = vector.shape_cast %swap3A_50 : vector<16xf32> to vector<16xf32>
      %swap3A_52 = vector.shape_cast %broadcast_in_dim3A_48 : vector<16xf32> to vector<16xf32>
      tpu.vector_store %arg15[%swap3A_49], %swap3A_52 {strides = array<i32>} : memref<64xf32, #tpu.memory_space<vmem>>, vector<16xf32>,
    } else {
    }
    %mul3A = arith.constant 2 : i32
    %mul3A_13 = arith.muli %mul3A, %arg0 : i32
    %sub3A = arith.constant 1 : i32
    %sub3A_14 = arith.subi %sub3A, %mul3A_13 : i32
    %mul3A_15 = arith.constant 254 : i32
    %mul3A_16 = arith.muli %mul3A_15, %arg0 : i32
    %add3A = arith.constant 1 : i32
    %add3A_17 = arith.addi %add3A, %mul3A_16 : i32
    %scan3A = arith.constant 1 : i32
    %scan3A_18 = arith.constant 255 : i32
    %scan3A_19 = arith.addi %scan3A, %scan3A_18 : i32
    %scan3A_20 = arith.constant 1 : i32
    %scan3A_21 = scf.for %scan3A_31 = %scan3A to %scan3A_19 step %scan3A_20 iter_args(%scan3A_32 = %add3A_17) -> (i32)  : i32 {
      %convert_element_type3A_33 = arith.extui %lt3A_1 : i1 to i32
      %cond3A_34 = arith.constant 0 : i32
      %cond3A_35 = arith.cmpi ne, %convert_element_type3A_33, %cond3A_34 : i32
      scf.if %cond3A_35 {
        %ne3A = arith.cmpi ne, %scan3A_32, %scan3A_31 : i32
        %convert_element_type3A_40 = arith.extui %ne3A : i1 to i32
        %cond3A_41 = arith.constant 0 : i32
        %cond3A_42 = arith.cmpi ne, %convert_element_type3A_40, %cond3A_41 : i32
        scf.if %cond3A_42 {
          %broadcast_in_dim3A_789 = arith.constant 0.000000e+00 : f32
          %broadcast_in_dim3A_790 = vector.broadcast %broadcast_in_dim3A_789 : f32 to vector<16xf32>
          %swap3A_791 = arith.constant 0 : index
          %swap3A_792 = tpu.vector_load %arg16[%swap3A_791] {strides = array<i32>} : memref<64xf32, #tpu.memory_space<vmem>>, vector<16xf32>,
          %swap3A_793 = vector.shape_cast %swap3A_792 : vector<16xf32> to vector<16xf32>
          %swap3A_794 = vector.shape_cast %broadcast_in_dim3A_790 : vector<16xf32> to vector<16xf32>
          tpu.vector_store %arg16[%swap3A_791], %swap3A_794 {strides = array<i32>} : memref<64xf32, #tpu.memory_space<vmem>>, vector<16xf32>,
          %broadcast_in_dim3A_795 = arith.constant 0.000000e+00 : f32
          %broadcast_in_dim3A_796 = vector.broadcast %broadcast_in_dim3A_795 : f32 to vector<16xf32>
          %swap3A_797 = arith.constant 16 : index
          %swap3A_798 = tpu.vector_load %arg16[%swap3A_797] {strides = array<i32>} : memref<64xf32, #tpu.memory_space<vmem>>, vector<16xf32>,
          %swap3A_799 = vector.shape_cast %swap3A_798 : vector<16xf32> to vector<16xf32>
          %swap3A_800 = vector.shape_cast %broadcast_in_dim3A_796 : vector<16xf32> to vector<16xf32>
          tpu.vector_store %arg16[%swap3A_797], %swap3A_800 {strides = array<i32>} : memref<64xf32, #tpu.memory_space<vmem>>, vector<16xf32>,
          %broadcast_in_dim3A_801 = arith.constant 0.000000e+00 : f32
          %broadcast_in_dim3A_802 = vector.broadcast %broadcast_in_dim3A_801 : f32 to vector<16xf32>
          %swap3A_803 = arith.constant 32 : index
          %swap3A_804 = tpu.vector_load %arg16[%swap3A_803] {strides = array<i32>} : memref<64xf32, #tpu.memory_space<vmem>>, vector<16xf32>,
          %swap3A_805 = vector.shape_cast %swap3A_804 : vector<16xf32> to vector<16xf32>
          %swap3A_806 = vector.shape_cast %broadcast_in_dim3A_802 : vector<16xf32> to vector<16xf32>
          tpu.vector_store %arg16[%swap3A_803], %swap3A_806 {strides = array<i32>} : memref<64xf32, #tpu.memory_space<vmem>>, vector<16xf32>,
          %broadcast_in_dim3A_807 = arith.constant 0.000000e+00 : f32
          %broadcast_in_dim3A_808 = vector.broadcast %broadcast_in_dim3A_807 : f32 to vector<16xf32>
          %swap3A_809 = arith.constant 48 : index
          %swap3A_810 = tpu.vector_load %arg16[%swap3A_809] {strides = array<i32>} : memref<64xf32, #tpu.memory_space<vmem>>, vector<16xf32>,
          %swap3A_811 = vector.shape_cast %swap3A_810 : vector<16xf32> to vector<16xf32>
          %swap3A_812 = vector.shape_cast %broadcast_in_dim3A_808 : vector<16xf32> to vector<16xf32>
          tpu.vector_store %arg16[%swap3A_809], %swap3A_812 {strides = array<i32>} : memref<64xf32, #tpu.memory_space<vmem>>, vector<16xf32>,
        } else {
        }
        %get3A = arith.constant 0 : index
        %get3A_43 = tpu.vector_load %arg13[%get3A] {strides = array<i32>} : memref<16xf32, #tpu.memory_space<vmem>>, vector<16xf32>,
        %get3A_44 = vector.shape_cast %get3A_43 : vector<16xf32> to vector<16xf32>
        %scan3A_45 = arith.constant 0 : i32
        %scan3A_46 = arith.constant 4 : i32
        %scan3A_47 = arith.addi %scan3A_45, %scan3A_46 : i32
        %scan3A_48 = arith.constant 1 : i32
        %scan3A_49 = scf.for %scan3A_789 = %scan3A_45 to %scan3A_47 step %scan3A_48 iter_args(%scan3A_790 = %get3A_44) -> (vector<16xf32>)  : i32 {
          %mul3A_791 = arith.constant 16 : i32
          %mul3A_792 = arith.muli %scan3A_789, %mul3A_791 : i32
          %get3A_793 = arith.index_cast %mul3A_792 : i32 to index
          %get3A_794 = tpu.vector_load %arg16[%get3A_793] {strides = array<i32>} : memref<64xf32, #tpu.memory_space<vmem>>, vector<16xf32>,
          %get3A_795 = vector.shape_cast %get3A_794 : vector<16xf32> to vector<16xf32>
          %slice3A_796 = vector.extract_strided_slice %get3A_795 {offsets = [0], sizes = [1], strides = [1]} : vector<16xf32> to vector<1xf32>
          %squeeze3A_797 = vector.extract %slice3A_796[0] : f32 from vector<1xf32>
          %broadcast_in_dim3A_798 = vector.broadcast %squeeze3A_797 : f32 to vector<16xf32>
          %mul3A_799 = arith.constant 16 : i32
          %mul3A_800 = arith.muli %scan3A_789, %mul3A_799 : i32
          %add3A_801 = arith.constant 0 : i32
          %add3A_802 = arith.addi %mul3A_800, %add3A_801 : i32
          %get3A_803 = arith.index_cast %add3A_802 : i32 to index
          %get3A_804 = arith.constant 0 : index
          %get3A_805 = tpu.vector_load %arg12[%get3A_803, %get3A_804] {strides = array<i32>} : memref<64x16xf32, #tpu.memory_space<vmem>>, vector<1x16xf32>,
          %get3A_806 = vector.shape_cast %get3A_805 : vector<1x16xf32> to vector<16xf32>
          %mul3A_807 = arith.mulf %broadcast_in_dim3A_798, %get3A_806 : vector<16xf32>
          %add3A_808 = arith.addf %scan3A_790, %mul3A_807 : vector<16xf32>
          %slice3A_809 = vector.extract_strided_slice %get3A_795 {offsets = [1], sizes = [1], strides = [1]} : vector<16xf32> to vector<1xf32>
          %squeeze3A_810 = vector.extract %slice3A_809[0] : f32 from vector<1xf32>
          %broadcast_in_dim3A_811 = vector.broadcast %squeeze3A_810 : f32 to vector<16xf32>
          %mul3A_812 = arith.constant 16 : i32
          %mul3A_813 = arith.muli %scan3A_789, %mul3A_812 : i32
          %add3A_814 = arith.constant 1 : i32
          %add3A_815 = arith.addi %mul3A_813, %add3A_814 : i32
          %get3A_816 = arith.index_cast %add3A_815 : i32 to index
          %get3A_817 = arith.constant 0 : index
          %get3A_818 = tpu.vector_load %arg12[%get3A_816, %get3A_817] {strides = array<i32>} : memref<64x16xf32, #tpu.memory_space<vmem>>, vector<1x16xf32>,
          %get3A_819 = vector.shape_cast %get3A_818 : vector<1x16xf32> to vector<16xf32>
          %mul3A_820 = arith.mulf %broadcast_in_dim3A_811, %get3A_819 : vector<16xf32>
          %add3A_821 = arith.addf %add3A_808, %mul3A_820 : vector<16xf32>
          %slice3A_822 = vector.extract_strided_slice %get3A_795 {offsets = [2], sizes = [1], strides = [1]} : vector<16xf32> to vector<1xf32>
          %squeeze3A_823 = vector.extract %slice3A_822[0] : f32 from vector<1xf32>
          %broadcast_in_dim3A_824 = vector.broadcast %squeeze3A_823 : f32 to vector<16xf32>
          %mul3A_825 = arith.constant 16 : i32
          %mul3A_826 = arith.muli %scan3A_789, %mul3A_825 : i32
          %add3A_827 = arith.constant 2 : i32
          %add3A_828 = arith.addi %mul3A_826, %add3A_827 : i32
          %get3A_829 = arith.index_cast %add3A_828 : i32 to index
          %get3A_830 = arith.constant 0 : index
          %get3A_831 = tpu.vector_load %arg12[%get3A_829, %get3A_830] {strides = array<i32>} : memref<64x16xf32, #tpu.memory_space<vmem>>, vector<1x16xf32>,
          %get3A_832 = vector.shape_cast %get3A_831 : vector<1x16xf32> to vector<16xf32>
          %mul3A_833 = arith.mulf %broadcast_in_dim3A_824, %get3A_832 : vector<16xf32>
          %add3A_834 = arith.addf %add3A_821, %mul3A_833 : vector<16xf32>
          %slice3A_835 = vector.extract_strided_slice %get3A_795 {offsets = [3], sizes = [1], strides = [1]} : vector<16xf32> to vector<1xf32>
          %squeeze3A_836 = vector.extract %slice3A_835[0] : f32 from vector<1xf32>
          %broadcast_in_dim3A_837 = vector.broadcast %squeeze3A_836 : f32 to vector<16xf32>
          %mul3A_838 = arith.constant 16 : i32
          %mul3A_839 = arith.muli %scan3A_789, %mul3A_838 : i32
          %add3A_840 = arith.constant 3 : i32
          %add3A_841 = arith.addi %mul3A_839, %add3A_840 : i32
          %get3A_842 = arith.index_cast %add3A_841 : i32 to index
          %get3A_843 = arith.constant 0 : index
          %get3A_844 = tpu.vector_load %arg12[%get3A_842, %get3A_843] {strides = array<i32>} : memref<64x16xf32, #tpu.memory_space<vmem>>, vector<1x16xf32>,
          %get3A_845 = vector.shape_cast %get3A_844 : vector<1x16xf32> to vector<16xf32>
          %mul3A_846 = arith.mulf %broadcast_in_dim3A_837, %get3A_845 : vector<16xf32>
          %add3A_847 = arith.addf %add3A_834, %mul3A_846 : vector<16xf32>
          %slice3A_848 = vector.extract_strided_slice %get3A_795 {offsets = [4], sizes = [1], strides = [1]} : vector<16xf32> to vector<1xf32>
          %squeeze3A_849 = vector.extract %slice3A_848[0] : f32 from vector<1xf32>
          %broadcast_in_dim3A_850 = vector.broadcast %squeeze3A_849 : f32 to vector<16xf32>
          %mul3A_851 = arith.constant 16 : i32
          %mul3A_852 = arith.muli %scan3A_789, %mul3A_851 : i32
          %add3A_853 = arith.constant 4 : i32
          %add3A_854 = arith.addi %mul3A_852, %add3A_853 : i32
          %get3A_855 = arith.index_cast %add3A_854 : i32 to index
          %get3A_856 = arith.constant 0 : index
          %get3A_857 = tpu.vector_load %arg12[%get3A_855, %get3A_856] {strides = array<i32>} : memref<64x16xf32, #tpu.memory_space<vmem>>, vector<1x16xf32>,
          %get3A_858 = vector.shape_cast %get3A_857 : vector<1x16xf32> to vector<16xf32>
          %mul3A_859 = arith.mulf %broadcast_in_dim3A_850, %get3A_858 : vector<16xf32>
          %add3A_860 = arith.addf %add3A_847, %mul3A_859 : vector<16xf32>
          %slice3A_861 = vector.extract_strided_slice %get3A_795 {offsets = [5], sizes = [1], strides = [1]} : vector<16xf32> to vector<1xf32>
          %squeeze3A_862 = vector.extract %slice3A_861[0] : f32 from vector<1xf32>
          %broadcast_in_dim3A_863 = vector.broadcast %squeeze3A_862 : f32 to vector<16xf32>
          %mul3A_864 = arith.constant 16 : i32
          %mul3A_865 = arith.muli %scan3A_789, %mul3A_864 : i32
          %add3A_866 = arith.constant 5 : i32
          %add3A_867 = arith.addi %mul3A_865, %add3A_866 : i32
          %get3A_868 = arith.index_cast %add3A_867 : i32 to index
          %get3A_869 = arith.constant 0 : index
          %get3A_870 = tpu.vector_load %arg12[%get3A_868, %get3A_869] {strides = array<i32>} : memref<64x16xf32, #tpu.memory_space<vmem>>, vector<1x16xf32>,
          %get3A_871 = vector.shape_cast %get3A_870 : vector<1x16xf32> to vector<16xf32>
          %mul3A_872 = arith.mulf %broadcast_in_dim3A_863, %get3A_871 : vector<16xf32>
          %add3A_873 = arith.addf %add3A_860, %mul3A_872 : vector<16xf32>
          %slice3A_874 = vector.extract_strided_slice %get3A_795 {offsets = [6], sizes = [1], strides = [1]} : vector<16xf32> to vector<1xf32>
          %squeeze3A_875 = vector.extract %slice3A_874[0] : f32 from vector<1xf32>
          %broadcast_in_dim3A_876 = vector.broadcast %squeeze3A_875 : f32 to vector<16xf32>
          %mul3A_877 = arith.constant 16 : i32
          %mul3A_878 = arith.muli %scan3A_789, %mul3A_877 : i32
          %add3A_879 = arith.constant 6 : i32
          %add3A_880 = arith.addi %mul3A_878, %add3A_879 : i32
          %get3A_881 = arith.index_cast %add3A_880 : i32 to index
          %get3A_882 = arith.constant 0 : index
          %get3A_883 = tpu.vector_load %arg12[%get3A_881, %get3A_882] {strides = array<i32>} : memref<64x16xf32, #tpu.memory_space<vmem>>, vector<1x16xf32>,
          %get3A_884 = vector.shape_cast %get3A_883 : vector<1x16xf32> to vector<16xf32>
          %mul3A_885 = arith.mulf %broadcast_in_dim3A_876, %get3A_884 : vector<16xf32>
          %add3A_886 = arith.addf %add3A_873, %mul3A_885 : vector<16xf32>
          %slice3A_887 = vector.extract_strided_slice %get3A_795 {offsets = [7], sizes = [1], strides = [1]} : vector<16xf32> to vector<1xf32>
          %squeeze3A_888 = vector.extract %slice3A_887[0] : f32 from vector<1xf32>
          %broadcast_in_dim3A_889 = vector.broadcast %squeeze3A_888 : f32 to vector<16xf32>
          %mul3A_890 = arith.constant 16 : i32
          %mul3A_891 = arith.muli %scan3A_789, %mul3A_890 : i32
          %add3A_892 = arith.constant 7 : i32
          %add3A_893 = arith.addi %mul3A_891, %add3A_892 : i32
          %get3A_894 = arith.index_cast %add3A_893 : i32 to index
          %get3A_895 = arith.constant 0 : index
          %get3A_896 = tpu.vector_load %arg12[%get3A_894, %get3A_895] {strides = array<i32>} : memref<64x16xf32, #tpu.memory_space<vmem>>, vector<1x16xf32>,
          %get3A_897 = vector.shape_cast %get3A_896 : vector<1x16xf32> to vector<16xf32>
          %mul3A_898 = arith.mulf %broadcast_in_dim3A_889, %get3A_897 : vector<16xf32>
          %add3A_899 = arith.addf %add3A_886, %mul3A_898 : vector<16xf32>
          %slice3A_900 = vector.extract_strided_slice %get3A_795 {offsets = [8], sizes = [1], strides = [1]} : vector<16xf32> to vector<1xf32>
          %squeeze3A_901 = vector.extract %slice3A_900[0] : f32 from vector<1xf32>
          %broadcast_in_dim3A_902 = vector.broadcast %squeeze3A_901 : f32 to vector<16xf32>
          %mul3A_903 = arith.constant 16 : i32
          %mul3A_904 = arith.muli %scan3A_789, %mul3A_903 : i32
          %add3A_905 = arith.constant 8 : i32
          %add3A_906 = arith.addi %mul3A_904, %add3A_905 : i32
          %get3A_907 = arith.index_cast %add3A_906 : i32 to index
          %get3A_908 = arith.constant 0 : index
          %get3A_909 = tpu.vector_load %arg12[%get3A_907, %get3A_908] {strides = array<i32>} : memref<64x16xf32, #tpu.memory_space<vmem>>, vector<1x16xf32>,
          %get3A_910 = vector.shape_cast %get3A_909 : vector<1x16xf32> to vector<16xf32>
          %mul3A_911 = arith.mulf %broadcast_in_dim3A_902, %get3A_910 : vector<16xf32>
          %add3A_912 = arith.addf %add3A_899, %mul3A_911 : vector<16xf32>
          %slice3A_913 = vector.extract_strided_slice %get3A_795 {offsets = [9], sizes = [1], strides = [1]} : vector<16xf32> to vector<1xf32>
          %squeeze3A_914 = vector.extract %slice3A_913[0] : f32 from vector<1xf32>
          %broadcast_in_dim3A_915 = vector.broadcast %squeeze3A_914 : f32 to vector<16xf32>
          %mul3A_916 = arith.constant 16 : i32
          %mul3A_917 = arith.muli %scan3A_789, %mul3A_916 : i32
          %add3A_918 = arith.constant 9 : i32
          %add3A_919 = arith.addi %mul3A_917, %add3A_918 : i32
          %get3A_920 = arith.index_cast %add3A_919 : i32 to index
          %get3A_921 = arith.constant 0 : index
          %get3A_922 = tpu.vector_load %arg12[%get3A_920, %get3A_921] {strides = array<i32>} : memref<64x16xf32, #tpu.memory_space<vmem>>, vector<1x16xf32>,
          %get3A_923 = vector.shape_cast %get3A_922 : vector<1x16xf32> to vector<16xf32>
          %mul3A_924 = arith.mulf %broadcast_in_dim3A_915, %get3A_923 : vector<16xf32>
          %add3A_925 = arith.addf %add3A_912, %mul3A_924 : vector<16xf32>
          %slice3A_926 = vector.extract_strided_slice %get3A_795 {offsets = [10], sizes = [1], strides = [1]} : vector<16xf32> to vector<1xf32>
          %squeeze3A_927 = vector.extract %slice3A_926[0] : f32 from vector<1xf32>
          %broadcast_in_dim3A_928 = vector.broadcast %squeeze3A_927 : f32 to vector<16xf32>
          %mul3A_929 = arith.constant 16 : i32
          %mul3A_930 = arith.muli %scan3A_789, %mul3A_929 : i32
          %add3A_931 = arith.constant 10 : i32
          %add3A_932 = arith.addi %mul3A_930, %add3A_931 : i32
          %get3A_933 = arith.index_cast %add3A_932 : i32 to index
          %get3A_934 = arith.constant 0 : index
          %get3A_935 = tpu.vector_load %arg12[%get3A_933, %get3A_934] {strides = array<i32>} : memref<64x16xf32, #tpu.memory_space<vmem>>, vector<1x16xf32>,
          %get3A_936 = vector.shape_cast %get3A_935 : vector<1x16xf32> to vector<16xf32>
          %mul3A_937 = arith.mulf %broadcast_in_dim3A_928, %get3A_936 : vector<16xf32>
          %add3A_938 = arith.addf %add3A_925, %mul3A_937 : vector<16xf32>
          %slice3A_939 = vector.extract_strided_slice %get3A_795 {offsets = [11], sizes = [1], strides = [1]} : vector<16xf32> to vector<1xf32>
          %squeeze3A_940 = vector.extract %slice3A_939[0] : f32 from vector<1xf32>
          %broadcast_in_dim3A_941 = vector.broadcast %squeeze3A_940 : f32 to vector<16xf32>
          %mul3A_942 = arith.constant 16 : i32
          %mul3A_943 = arith.muli %scan3A_789, %mul3A_942 : i32
          %add3A_944 = arith.constant 11 : i32
          %add3A_945 = arith.addi %mul3A_943, %add3A_944 : i32
          %get3A_946 = arith.index_cast %add3A_945 : i32 to index
          %get3A_947 = arith.constant 0 : index
          %get3A_948 = tpu.vector_load %arg12[%get3A_946, %get3A_947] {strides = array<i32>} : memref<64x16xf32, #tpu.memory_space<vmem>>, vector<1x16xf32>,
          %get3A_949 = vector.shape_cast %get3A_948 : vector<1x16xf32> to vector<16xf32>
          %mul3A_950 = arith.mulf %broadcast_in_dim3A_941, %get3A_949 : vector<16xf32>
          %add3A_951 = arith.addf %add3A_938, %mul3A_950 : vector<16xf32>
          %slice3A_952 = vector.extract_strided_slice %get3A_795 {offsets = [12], sizes = [1], strides = [1]} : vector<16xf32> to vector<1xf32>
          %squeeze3A_953 = vector.extract %slice3A_952[0] : f32 from vector<1xf32>
          %broadcast_in_dim3A_954 = vector.broadcast %squeeze3A_953 : f32 to vector<16xf32>
          %mul3A_955 = arith.constant 16 : i32
          %mul3A_956 = arith.muli %scan3A_789, %mul3A_955 : i32
          %add3A_957 = arith.constant 12 : i32
          %add3A_958 = arith.addi %mul3A_956, %add3A_957 : i32
          %get3A_959 = arith.index_cast %add3A_958 : i32 to index
          %get3A_960 = arith.constant 0 : index
          %get3A_961 = tpu.vector_load %arg12[%get3A_959, %get3A_960] {strides = array<i32>} : memref<64x16xf32, #tpu.memory_space<vmem>>, vector<1x16xf32>,
          %get3A_962 = vector.shape_cast %get3A_961 : vector<1x16xf32> to vector<16xf32>
          %mul3A_963 = arith.mulf %broadcast_in_dim3A_954, %get3A_962 : vector<16xf32>
          %add3A_964 = arith.addf %add3A_951, %mul3A_963 : vector<16xf32>
          %slice3A_965 = vector.extract_strided_slice %get3A_795 {offsets = [13], sizes = [1], strides = [1]} : vector<16xf32> to vector<1xf32>
          %squeeze3A_966 = vector.extract %slice3A_965[0] : f32 from vector<1xf32>
          %broadcast_in_dim3A_967 = vector.broadcast %squeeze3A_966 : f32 to vector<16xf32>
          %mul3A_968 = arith.constant 16 : i32
          %mul3A_969 = arith.muli %scan3A_789, %mul3A_968 : i32
          %add3A_970 = arith.constant 13 : i32
          %add3A_971 = arith.addi %mul3A_969, %add3A_970 : i32
          %get3A_972 = arith.index_cast %add3A_971 : i32 to index
          %get3A_973 = arith.constant 0 : index
          %get3A_974 = tpu.vector_load %arg12[%get3A_972, %get3A_973] {strides = array<i32>} : memref<64x16xf32, #tpu.memory_space<vmem>>, vector<1x16xf32>,
          %get3A_975 = vector.shape_cast %get3A_974 : vector<1x16xf32> to vector<16xf32>
          %mul3A_976 = arith.mulf %broadcast_in_dim3A_967, %get3A_975 : vector<16xf32>
          %add3A_977 = arith.addf %add3A_964, %mul3A_976 : vector<16xf32>
          %slice3A_978 = vector.extract_strided_slice %get3A_795 {offsets = [14], sizes = [1], strides = [1]} : vector<16xf32> to vector<1xf32>
          %squeeze3A_979 = vector.extract %slice3A_978[0] : f32 from vector<1xf32>
          %broadcast_in_dim3A_980 = vector.broadcast %squeeze3A_979 : f32 to vector<16xf32>
          %mul3A_981 = arith.constant 16 : i32
          %mul3A_982 = arith.muli %scan3A_789, %mul3A_981 : i32
          %add3A_983 = arith.constant 14 : i32
          %add3A_984 = arith.addi %mul3A_982, %add3A_983 : i32
          %get3A_985 = arith.index_cast %add3A_984 : i32 to index
          %get3A_986 = arith.constant 0 : index
          %get3A_987 = tpu.vector_load %arg12[%get3A_985, %get3A_986] {strides = array<i32>} : memref<64x16xf32, #tpu.memory_space<vmem>>, vector<1x16xf32>,
          %get3A_988 = vector.shape_cast %get3A_987 : vector<1x16xf32> to vector<16xf32>
          %mul3A_989 = arith.mulf %broadcast_in_dim3A_980, %get3A_988 : vector<16xf32>
          %add3A_990 = arith.addf %add3A_977, %mul3A_989 : vector<16xf32>
          %slice3A_991 = vector.extract_strided_slice %get3A_795 {offsets = [15], sizes = [1], strides = [1]} : vector<16xf32> to vector<1xf32>
          %squeeze3A_992 = vector.extract %slice3A_991[0] : f32 from vector<1xf32>
          %broadcast_in_dim3A_993 = vector.broadcast %squeeze3A_992 : f32 to vector<16xf32>
          %mul3A_994 = arith.constant 16 : i32
          %mul3A_995 = arith.muli %scan3A_789, %mul3A_994 : i32
          %add3A_996 = arith.constant 15 : i32
          %add3A_997 = arith.addi %mul3A_995, %add3A_996 : i32
          %get3A_998 = arith.index_cast %add3A_997 : i32 to index
          %get3A_999 = arith.constant 0 : index
          %get3A_1000 = tpu.vector_load %arg12[%get3A_998, %get3A_999] {strides = array<i32>} : memref<64x16xf32, #tpu.memory_space<vmem>>, vector<1x16xf32>,
          %get3A_1001 = vector.shape_cast %get3A_1000 : vector<1x16xf32> to vector<16xf32>
          %mul3A_1002 = arith.mulf %broadcast_in_dim3A_993, %get3A_1001 : vector<16xf32>
          %add3A_1003 = arith.addf %add3A_990, %mul3A_1002 : vector<16xf32>
          scf.yield %add3A_1003 : vector<16xf32>
        }
        %scan3A_50 = arith.constant 4 : i32
        %max3A = arith.constant 0.000000e+00 : f32
        %max3A_51 = vector.broadcast %max3A : f32 to vector<16xf32>
        %max3A_52 = arith.maximumf %scan3A_49, %max3A_51 : vector<16xf32>
        %swap3A = arith.constant 0 : index
        %swap3A_53 = tpu.vector_load %arg17[%swap3A] {strides = array<i32>} : memref<16xf32, #tpu.memory_space<vmem>>, vector<16xf32>,
        %swap3A_54 = vector.shape_cast %swap3A_53 : vector<16xf32> to vector<16xf32>
        %swap3A_55 = vector.shape_cast %max3A_52 : vector<16xf32> to vector<16xf32>
        tpu.vector_store %arg17[%swap3A], %swap3A_55 {strides = array<i32>} : memref<16xf32, #tpu.memory_space<vmem>>, vector<16xf32>,
        %get3A_56 = arith.constant 0 : index
        %get3A_57 = tpu.vector_load %arg15[%get3A_56] {strides = array<i32>} : memref<64xf32, #tpu.memory_space<vmem>>, vector<16xf32>,
        %get3A_58 = vector.shape_cast %get3A_57 : vector<16xf32> to vector<16xf32>
        %get3A_59 = arith.constant 16 : index
        %get3A_60 = tpu.vector_load %arg15[%get3A_59] {strides = array<i32>} : memref<64xf32, #tpu.memory_space<vmem>>, vector<16xf32>,
        %get3A_61 = vector.shape_cast %get3A_60 : vector<16xf32> to vector<16xf32>
        %get3A_62 = arith.constant 32 : index
        %get3A_63 = tpu.vector_load %arg15[%get3A_62] {strides = array<i32>} : memref<64xf32, #tpu.memory_space<vmem>>, vector<16xf32>,
        %get3A_64 = vector.shape_cast %get3A_63 : vector<16xf32> to vector<16xf32>
        %get3A_65 = arith.constant 48 : index
        %get3A_66 = tpu.vector_load %arg15[%get3A_65] {strides = array<i32>} : memref<64xf32, #tpu.memory_space<vmem>>, vector<16xf32>,
        %get3A_67 = vector.shape_cast %get3A_66 : vector<16xf32> to vector<16xf32>
        %scan3A_68 = arith.constant 0 : i32
        %mul3A_69 = arith.constant 16 : i32
        %mul3A_70 = arith.muli %scan3A_68, %mul3A_69 : i32
        %get3A_71 = arith.index_cast %mul3A_70 : i32 to index
        %get3A_72 = tpu.vector_load %arg17[%get3A_71] {strides = array<i32>} : memref<16xf32, #tpu.memory_space<vmem>>, vector<16xf32>,
        %get3A_73 = vector.shape_cast %get3A_72 : vector<16xf32> to vector<16xf32>
        %slice3A = vector.extract_strided_slice %get3A_73 {offsets = [0], sizes = [1], strides = [1]} : vector<16xf32> to vector<1xf32>
        %squeeze3A = vector.extract %slice3A[0] : f32 from vector<1xf32>
        %broadcast_in_dim3A = vector.broadcast %squeeze3A : f32 to vector<16xf32>
        %mul3A_74 = arith.constant 16 : i32
        %mul3A_75 = arith.muli %scan3A_68, %mul3A_74 : i32
        %add3A_76 = arith.constant 0 : i32
        %add3A_77 = arith.addi %mul3A_75, %add3A_76 : i32
        %get3A_78 = arith.index_cast %add3A_77 : i32 to index
        %get3A_79 = arith.constant 0 : index
        %get3A_80 = tpu.vector_load %arg14[%get3A_78, %get3A_79] {strides = array<i32>} : memref<16x64xf32, #tpu.memory_space<vmem>>, vector<1x16xf32>,
        %get3A_81 = vector.shape_cast %get3A_80 : vector<1x16xf32> to vector<16xf32>
        %mul3A_82 = arith.mulf %broadcast_in_dim3A, %get3A_81 : vector<16xf32>
        %add3A_83 = arith.addf %get3A_58, %mul3A_82 : vector<16xf32>
        %mul3A_84 = arith.constant 16 : i32
        %mul3A_85 = arith.muli %scan3A_68, %mul3A_84 : i32
        %add3A_86 = arith.constant 0 : i32
        %add3A_87 = arith.addi %mul3A_85, %add3A_86 : i32
        %get3A_88 = arith.index_cast %add3A_87 : i32 to index
        %get3A_89 = arith.constant 16 : index
        %get3A_90 = tpu.vector_load %arg14[%get3A_88, %get3A_89] {strides = array<i32>} : memref<16x64xf32, #tpu.memory_space<vmem>>, vector<1x16xf32>,
        %get3A_91 = vector.shape_cast %get3A_90 : vector<1x16xf32> to vector<16xf32>
        %mul3A_92 = arith.mulf %broadcast_in_dim3A, %get3A_91 : vector<16xf32>
        %add3A_93 = arith.addf %get3A_61, %mul3A_92 : vector<16xf32>
        %mul3A_94 = arith.constant 16 : i32
        %mul3A_95 = arith.muli %scan3A_68, %mul3A_94 : i32
        %add3A_96 = arith.constant 0 : i32
        %add3A_97 = arith.addi %mul3A_95, %add3A_96 : i32
        %get3A_98 = arith.index_cast %add3A_97 : i32 to index
        %get3A_99 = arith.constant 32 : index
        %get3A_100 = tpu.vector_load %arg14[%get3A_98, %get3A_99] {strides = array<i32>} : memref<16x64xf32, #tpu.memory_space<vmem>>, vector<1x16xf32>,
        %get3A_101 = vector.shape_cast %get3A_100 : vector<1x16xf32> to vector<16xf32>
        %mul3A_102 = arith.mulf %broadcast_in_dim3A, %get3A_101 : vector<16xf32>
        %add3A_103 = arith.addf %get3A_64, %mul3A_102 : vector<16xf32>
        %mul3A_104 = arith.constant 16 : i32
        %mul3A_105 = arith.muli %scan3A_68, %mul3A_104 : i32
        %add3A_106 = arith.constant 0 : i32
        %add3A_107 = arith.addi %mul3A_105, %add3A_106 : i32
        %get3A_108 = arith.index_cast %add3A_107 : i32 to index
        %get3A_109 = arith.constant 48 : index
        %get3A_110 = tpu.vector_load %arg14[%get3A_108, %get3A_109] {strides = array<i32>} : memref<16x64xf32, #tpu.memory_space<vmem>>, vector<1x16xf32>,
        %get3A_111 = vector.shape_cast %get3A_110 : vector<1x16xf32> to vector<16xf32>
        %mul3A_112 = arith.mulf %broadcast_in_dim3A, %get3A_111 : vector<16xf32>
        %add3A_113 = arith.addf %get3A_67, %mul3A_112 : vector<16xf32>
        %slice3A_114 = vector.extract_strided_slice %get3A_73 {offsets = [1], sizes = [1], strides = [1]} : vector<16xf32> to vector<1xf32>
        %squeeze3A_115 = vector.extract %slice3A_114[0] : f32 from vector<1xf32>
        %broadcast_in_dim3A_116 = vector.broadcast %squeeze3A_115 : f32 to vector<16xf32>
        %mul3A_117 = arith.constant 16 : i32
        %mul3A_118 = arith.muli %scan3A_68, %mul3A_117 : i32
        %add3A_119 = arith.constant 1 : i32
        %add3A_120 = arith.addi %mul3A_118, %add3A_119 : i32
        %get3A_121 = arith.index_cast %add3A_120 : i32 to index
        %get3A_122 = arith.constant 0 : index
        %get3A_123 = tpu.vector_load %arg14[%get3A_121, %get3A_122] {strides = array<i32>} : memref<16x64xf32, #tpu.memory_space<vmem>>, vector<1x16xf32>,
        %get3A_124 = vector.shape_cast %get3A_123 : vector<1x16xf32> to vector<16xf32>
        %mul3A_125 = arith.mulf %broadcast_in_dim3A_116, %get3A_124 : vector<16xf32>
        %add3A_126 = arith.addf %add3A_83, %mul3A_125 : vector<16xf32>
        %mul3A_127 = arith.constant 16 : i32
        %mul3A_128 = arith.muli %scan3A_68, %mul3A_127 : i32
        %add3A_129 = arith.constant 1 : i32
        %add3A_130 = arith.addi %mul3A_128, %add3A_129 : i32
        %get3A_131 = arith.index_cast %add3A_130 : i32 to index
        %get3A_132 = arith.constant 16 : index
        %get3A_133 = tpu.vector_load %arg14[%get3A_131, %get3A_132] {strides = array<i32>} : memref<16x64xf32, #tpu.memory_space<vmem>>, vector<1x16xf32>,
        %get3A_134 = vector.shape_cast %get3A_133 : vector<1x16xf32> to vector<16xf32>
        %mul3A_135 = arith.mulf %broadcast_in_dim3A_116, %get3A_134 : vector<16xf32>
        %add3A_136 = arith.addf %add3A_93, %mul3A_135 : vector<16xf32>
        %mul3A_137 = arith.constant 16 : i32
        %mul3A_138 = arith.muli %scan3A_68, %mul3A_137 : i32
        %add3A_139 = arith.constant 1 : i32
        %add3A_140 = arith.addi %mul3A_138, %add3A_139 : i32
        %get3A_141 = arith.index_cast %add3A_140 : i32 to index
        %get3A_142 = arith.constant 32 : index
        %get3A_143 = tpu.vector_load %arg14[%get3A_141, %get3A_142] {strides = array<i32>} : memref<16x64xf32, #tpu.memory_space<vmem>>, vector<1x16xf32>,
        %get3A_144 = vector.shape_cast %get3A_143 : vector<1x16xf32> to vector<16xf32>
        %mul3A_145 = arith.mulf %broadcast_in_dim3A_116, %get3A_144 : vector<16xf32>
        %add3A_146 = arith.addf %add3A_103, %mul3A_145 : vector<16xf32>
        %mul3A_147 = arith.constant 16 : i32
        %mul3A_148 = arith.muli %scan3A_68, %mul3A_147 : i32
        %add3A_149 = arith.constant 1 : i32
        %add3A_150 = arith.addi %mul3A_148, %add3A_149 : i32
        %get3A_151 = arith.index_cast %add3A_150 : i32 to index
        %get3A_152 = arith.constant 48 : index
        %get3A_153 = tpu.vector_load %arg14[%get3A_151, %get3A_152] {strides = array<i32>} : memref<16x64xf32, #tpu.memory_space<vmem>>, vector<1x16xf32>,
        %get3A_154 = vector.shape_cast %get3A_153 : vector<1x16xf32> to vector<16xf32>
        %mul3A_155 = arith.mulf %broadcast_in_dim3A_116, %get3A_154 : vector<16xf32>
        %add3A_156 = arith.addf %add3A_113, %mul3A_155 : vector<16xf32>
        %slice3A_157 = vector.extract_strided_slice %get3A_73 {offsets = [2], sizes = [1], strides = [1]} : vector<16xf32> to vector<1xf32>
        %squeeze3A_158 = vector.extract %slice3A_157[0] : f32 from vector<1xf32>
        %broadcast_in_dim3A_159 = vector.broadcast %squeeze3A_158 : f32 to vector<16xf32>
        %mul3A_160 = arith.constant 16 : i32
        %mul3A_161 = arith.muli %scan3A_68, %mul3A_160 : i32
        %add3A_162 = arith.constant 2 : i32
        %add3A_163 = arith.addi %mul3A_161, %add3A_162 : i32
        %get3A_164 = arith.index_cast %add3A_163 : i32 to index
        %get3A_165 = arith.constant 0 : index
        %get3A_166 = tpu.vector_load %arg14[%get3A_164, %get3A_165] {strides = array<i32>} : memref<16x64xf32, #tpu.memory_space<vmem>>, vector<1x16xf32>,
        %get3A_167 = vector.shape_cast %get3A_166 : vector<1x16xf32> to vector<16xf32>
        %mul3A_168 = arith.mulf %broadcast_in_dim3A_159, %get3A_167 : vector<16xf32>
        %add3A_169 = arith.addf %add3A_126, %mul3A_168 : vector<16xf32>
        %mul3A_170 = arith.constant 16 : i32
        %mul3A_171 = arith.muli %scan3A_68, %mul3A_170 : i32
        %add3A_172 = arith.constant 2 : i32
        %add3A_173 = arith.addi %mul3A_171, %add3A_172 : i32
        %get3A_174 = arith.index_cast %add3A_173 : i32 to index
        %get3A_175 = arith.constant 16 : index
        %get3A_176 = tpu.vector_load %arg14[%get3A_174, %get3A_175] {strides = array<i32>} : memref<16x64xf32, #tpu.memory_space<vmem>>, vector<1x16xf32>,
        %get3A_177 = vector.shape_cast %get3A_176 : vector<1x16xf32> to vector<16xf32>
        %mul3A_178 = arith.mulf %broadcast_in_dim3A_159, %get3A_177 : vector<16xf32>
        %add3A_179 = arith.addf %add3A_136, %mul3A_178 : vector<16xf32>
        %mul3A_180 = arith.constant 16 : i32
        %mul3A_181 = arith.muli %scan3A_68, %mul3A_180 : i32
        %add3A_182 = arith.constant 2 : i32
        %add3A_183 = arith.addi %mul3A_181, %add3A_182 : i32
        %get3A_184 = arith.index_cast %add3A_183 : i32 to index
        %get3A_185 = arith.constant 32 : index
        %get3A_186 = tpu.vector_load %arg14[%get3A_184, %get3A_185] {strides = array<i32>} : memref<16x64xf32, #tpu.memory_space<vmem>>, vector<1x16xf32>,
        %get3A_187 = vector.shape_cast %get3A_186 : vector<1x16xf32> to vector<16xf32>
        %mul3A_188 = arith.mulf %broadcast_in_dim3A_159, %get3A_187 : vector<16xf32>
        %add3A_189 = arith.addf %add3A_146, %mul3A_188 : vector<16xf32>
        %mul3A_190 = arith.constant 16 : i32
        %mul3A_191 = arith.muli %scan3A_68, %mul3A_190 : i32
        %add3A_192 = arith.constant 2 : i32
        %add3A_193 = arith.addi %mul3A_191, %add3A_192 : i32
        %get3A_194 = arith.index_cast %add3A_193 : i32 to index
        %get3A_195 = arith.constant 48 : index
        %get3A_196 = tpu.vector_load %arg14[%get3A_194, %get3A_195] {strides = array<i32>} : memref<16x64xf32, #tpu.memory_space<vmem>>, vector<1x16xf32>,
        %get3A_197 = vector.shape_cast %get3A_196 : vector<1x16xf32> to vector<16xf32>
        %mul3A_198 = arith.mulf %broadcast_in_dim3A_159, %get3A_197 : vector<16xf32>
        %add3A_199 = arith.addf %add3A_156, %mul3A_198 : vector<16xf32>
        %slice3A_200 = vector.extract_strided_slice %get3A_73 {offsets = [3], sizes = [1], strides = [1]} : vector<16xf32> to vector<1xf32>
        %squeeze3A_201 = vector.extract %slice3A_200[0] : f32 from vector<1xf32>
        %broadcast_in_dim3A_202 = vector.broadcast %squeeze3A_201 : f32 to vector<16xf32>
        %mul3A_203 = arith.constant 16 : i32
        %mul3A_204 = arith.muli %scan3A_68, %mul3A_203 : i32
        %add3A_205 = arith.constant 3 : i32
        %add3A_206 = arith.addi %mul3A_204, %add3A_205 : i32
        %get3A_207 = arith.index_cast %add3A_206 : i32 to index
        %get3A_208 = arith.constant 0 : index
        %get3A_209 = tpu.vector_load %arg14[%get3A_207, %get3A_208] {strides = array<i32>} : memref<16x64xf32, #tpu.memory_space<vmem>>, vector<1x16xf32>,
        %get3A_210 = vector.shape_cast %get3A_209 : vector<1x16xf32> to vector<16xf32>
        %mul3A_211 = arith.mulf %broadcast_in_dim3A_202, %get3A_210 : vector<16xf32>
        %add3A_212 = arith.addf %add3A_169, %mul3A_211 : vector<16xf32>
        %mul3A_213 = arith.constant 16 : i32
        %mul3A_214 = arith.muli %scan3A_68, %mul3A_213 : i32
        %add3A_215 = arith.constant 3 : i32
        %add3A_216 = arith.addi %mul3A_214, %add3A_215 : i32
        %get3A_217 = arith.index_cast %add3A_216 : i32 to index
        %get3A_218 = arith.constant 16 : index
        %get3A_219 = tpu.vector_load %arg14[%get3A_217, %get3A_218] {strides = array<i32>} : memref<16x64xf32, #tpu.memory_space<vmem>>, vector<1x16xf32>,
        %get3A_220 = vector.shape_cast %get3A_219 : vector<1x16xf32> to vector<16xf32>
        %mul3A_221 = arith.mulf %broadcast_in_dim3A_202, %get3A_220 : vector<16xf32>
        %add3A_222 = arith.addf %add3A_179, %mul3A_221 : vector<16xf32>
        %mul3A_223 = arith.constant 16 : i32
        %mul3A_224 = arith.muli %scan3A_68, %mul3A_223 : i32
        %add3A_225 = arith.constant 3 : i32
        %add3A_226 = arith.addi %mul3A_224, %add3A_225 : i32
        %get3A_227 = arith.index_cast %add3A_226 : i32 to index
        %get3A_228 = arith.constant 32 : index
        %get3A_229 = tpu.vector_load %arg14[%get3A_227, %get3A_228] {strides = array<i32>} : memref<16x64xf32, #tpu.memory_space<vmem>>, vector<1x16xf32>,
        %get3A_230 = vector.shape_cast %get3A_229 : vector<1x16xf32> to vector<16xf32>
        %mul3A_231 = arith.mulf %broadcast_in_dim3A_202, %get3A_230 : vector<16xf32>
        %add3A_232 = arith.addf %add3A_189, %mul3A_231 : vector<16xf32>
        %mul3A_233 = arith.constant 16 : i32
        %mul3A_234 = arith.muli %scan3A_68, %mul3A_233 : i32
        %add3A_235 = arith.constant 3 : i32
        %add3A_236 = arith.addi %mul3A_234, %add3A_235 : i32
        %get3A_237 = arith.index_cast %add3A_236 : i32 to index
        %get3A_238 = arith.constant 48 : index
        %get3A_239 = tpu.vector_load %arg14[%get3A_237, %get3A_238] {strides = array<i32>} : memref<16x64xf32, #tpu.memory_space<vmem>>, vector<1x16xf32>,
        %get3A_240 = vector.shape_cast %get3A_239 : vector<1x16xf32> to vector<16xf32>
        %mul3A_241 = arith.mulf %broadcast_in_dim3A_202, %get3A_240 : vector<16xf32>
        %add3A_242 = arith.addf %add3A_199, %mul3A_241 : vector<16xf32>
        %slice3A_243 = vector.extract_strided_slice %get3A_73 {offsets = [4], sizes = [1], strides = [1]} : vector<16xf32> to vector<1xf32>
        %squeeze3A_244 = vector.extract %slice3A_243[0] : f32 from vector<1xf32>
        %broadcast_in_dim3A_245 = vector.broadcast %squeeze3A_244 : f32 to vector<16xf32>
        %mul3A_246 = arith.constant 16 : i32
        %mul3A_247 = arith.muli %scan3A_68, %mul3A_246 : i32
        %add3A_248 = arith.constant 4 : i32
        %add3A_249 = arith.addi %mul3A_247, %add3A_248 : i32
        %get3A_250 = arith.index_cast %add3A_249 : i32 to index
        %get3A_251 = arith.constant 0 : index
        %get3A_252 = tpu.vector_load %arg14[%get3A_250, %get3A_251] {strides = array<i32>} : memref<16x64xf32, #tpu.memory_space<vmem>>, vector<1x16xf32>,
        %get3A_253 = vector.shape_cast %get3A_252 : vector<1x16xf32> to vector<16xf32>
        %mul3A_254 = arith.mulf %broadcast_in_dim3A_245, %get3A_253 : vector<16xf32>
        %add3A_255 = arith.addf %add3A_212, %mul3A_254 : vector<16xf32>
        %mul3A_256 = arith.constant 16 : i32
        %mul3A_257 = arith.muli %scan3A_68, %mul3A_256 : i32
        %add3A_258 = arith.constant 4 : i32
        %add3A_259 = arith.addi %mul3A_257, %add3A_258 : i32
        %get3A_260 = arith.index_cast %add3A_259 : i32 to index
        %get3A_261 = arith.constant 16 : index
        %get3A_262 = tpu.vector_load %arg14[%get3A_260, %get3A_261] {strides = array<i32>} : memref<16x64xf32, #tpu.memory_space<vmem>>, vector<1x16xf32>,
        %get3A_263 = vector.shape_cast %get3A_262 : vector<1x16xf32> to vector<16xf32>
        %mul3A_264 = arith.mulf %broadcast_in_dim3A_245, %get3A_263 : vector<16xf32>
        %add3A_265 = arith.addf %add3A_222, %mul3A_264 : vector<16xf32>
        %mul3A_266 = arith.constant 16 : i32
        %mul3A_267 = arith.muli %scan3A_68, %mul3A_266 : i32
        %add3A_268 = arith.constant 4 : i32
        %add3A_269 = arith.addi %mul3A_267, %add3A_268 : i32
        %get3A_270 = arith.index_cast %add3A_269 : i32 to index
        %get3A_271 = arith.constant 32 : index
        %get3A_272 = tpu.vector_load %arg14[%get3A_270, %get3A_271] {strides = array<i32>} : memref<16x64xf32, #tpu.memory_space<vmem>>, vector<1x16xf32>,
        %get3A_273 = vector.shape_cast %get3A_272 : vector<1x16xf32> to vector<16xf32>
        %mul3A_274 = arith.mulf %broadcast_in_dim3A_245, %get3A_273 : vector<16xf32>
        %add3A_275 = arith.addf %add3A_232, %mul3A_274 : vector<16xf32>
        %mul3A_276 = arith.constant 16 : i32
        %mul3A_277 = arith.muli %scan3A_68, %mul3A_276 : i32
        %add3A_278 = arith.constant 4 : i32
        %add3A_279 = arith.addi %mul3A_277, %add3A_278 : i32
        %get3A_280 = arith.index_cast %add3A_279 : i32 to index
        %get3A_281 = arith.constant 48 : index
        %get3A_282 = tpu.vector_load %arg14[%get3A_280, %get3A_281] {strides = array<i32>} : memref<16x64xf32, #tpu.memory_space<vmem>>, vector<1x16xf32>,
        %get3A_283 = vector.shape_cast %get3A_282 : vector<1x16xf32> to vector<16xf32>
        %mul3A_284 = arith.mulf %broadcast_in_dim3A_245, %get3A_283 : vector<16xf32>
        %add3A_285 = arith.addf %add3A_242, %mul3A_284 : vector<16xf32>
        %slice3A_286 = vector.extract_strided_slice %get3A_73 {offsets = [5], sizes = [1], strides = [1]} : vector<16xf32> to vector<1xf32>
        %squeeze3A_287 = vector.extract %slice3A_286[0] : f32 from vector<1xf32>
        %broadcast_in_dim3A_288 = vector.broadcast %squeeze3A_287 : f32 to vector<16xf32>
        %mul3A_289 = arith.constant 16 : i32
        %mul3A_290 = arith.muli %scan3A_68, %mul3A_289 : i32
        %add3A_291 = arith.constant 5 : i32
        %add3A_292 = arith.addi %mul3A_290, %add3A_291 : i32
        %get3A_293 = arith.index_cast %add3A_292 : i32 to index
        %get3A_294 = arith.constant 0 : index
        %get3A_295 = tpu.vector_load %arg14[%get3A_293, %get3A_294] {strides = array<i32>} : memref<16x64xf32, #tpu.memory_space<vmem>>, vector<1x16xf32>,
        %get3A_296 = vector.shape_cast %get3A_295 : vector<1x16xf32> to vector<16xf32>
        %mul3A_297 = arith.mulf %broadcast_in_dim3A_288, %get3A_296 : vector<16xf32>
        %add3A_298 = arith.addf %add3A_255, %mul3A_297 : vector<16xf32>
        %mul3A_299 = arith.constant 16 : i32
        %mul3A_300 = arith.muli %scan3A_68, %mul3A_299 : i32
        %add3A_301 = arith.constant 5 : i32
        %add3A_302 = arith.addi %mul3A_300, %add3A_301 : i32
        %get3A_303 = arith.index_cast %add3A_302 : i32 to index
        %get3A_304 = arith.constant 16 : index
        %get3A_305 = tpu.vector_load %arg14[%get3A_303, %get3A_304] {strides = array<i32>} : memref<16x64xf32, #tpu.memory_space<vmem>>, vector<1x16xf32>,
        %get3A_306 = vector.shape_cast %get3A_305 : vector<1x16xf32> to vector<16xf32>
        %mul3A_307 = arith.mulf %broadcast_in_dim3A_288, %get3A_306 : vector<16xf32>
        %add3A_308 = arith.addf %add3A_265, %mul3A_307 : vector<16xf32>
        %mul3A_309 = arith.constant 16 : i32
        %mul3A_310 = arith.muli %scan3A_68, %mul3A_309 : i32
        %add3A_311 = arith.constant 5 : i32
        %add3A_312 = arith.addi %mul3A_310, %add3A_311 : i32
        %get3A_313 = arith.index_cast %add3A_312 : i32 to index
        %get3A_314 = arith.constant 32 : index
        %get3A_315 = tpu.vector_load %arg14[%get3A_313, %get3A_314] {strides = array<i32>} : memref<16x64xf32, #tpu.memory_space<vmem>>, vector<1x16xf32>,
        %get3A_316 = vector.shape_cast %get3A_315 : vector<1x16xf32> to vector<16xf32>
        %mul3A_317 = arith.mulf %broadcast_in_dim3A_288, %get3A_316 : vector<16xf32>
        %add3A_318 = arith.addf %add3A_275, %mul3A_317 : vector<16xf32>
        %mul3A_319 = arith.constant 16 : i32
        %mul3A_320 = arith.muli %scan3A_68, %mul3A_319 : i32
        %add3A_321 = arith.constant 5 : i32
        %add3A_322 = arith.addi %mul3A_320, %add3A_321 : i32
        %get3A_323 = arith.index_cast %add3A_322 : i32 to index
        %get3A_324 = arith.constant 48 : index
        %get3A_325 = tpu.vector_load %arg14[%get3A_323, %get3A_324] {strides = array<i32>} : memref<16x64xf32, #tpu.memory_space<vmem>>, vector<1x16xf32>,
        %get3A_326 = vector.shape_cast %get3A_325 : vector<1x16xf32> to vector<16xf32>
        %mul3A_327 = arith.mulf %broadcast_in_dim3A_288, %get3A_326 : vector<16xf32>
        %add3A_328 = arith.addf %add3A_285, %mul3A_327 : vector<16xf32>
        %slice3A_329 = vector.extract_strided_slice %get3A_73 {offsets = [6], sizes = [1], strides = [1]} : vector<16xf32> to vector<1xf32>
        %squeeze3A_330 = vector.extract %slice3A_329[0] : f32 from vector<1xf32>
        %broadcast_in_dim3A_331 = vector.broadcast %squeeze3A_330 : f32 to vector<16xf32>
        %mul3A_332 = arith.constant 16 : i32
        %mul3A_333 = arith.muli %scan3A_68, %mul3A_332 : i32
        %add3A_334 = arith.constant 6 : i32
        %add3A_335 = arith.addi %mul3A_333, %add3A_334 : i32
        %get3A_336 = arith.index_cast %add3A_335 : i32 to index
        %get3A_337 = arith.constant 0 : index
        %get3A_338 = tpu.vector_load %arg14[%get3A_336, %get3A_337] {strides = array<i32>} : memref<16x64xf32, #tpu.memory_space<vmem>>, vector<1x16xf32>,
        %get3A_339 = vector.shape_cast %get3A_338 : vector<1x16xf32> to vector<16xf32>
        %mul3A_340 = arith.mulf %broadcast_in_dim3A_331, %get3A_339 : vector<16xf32>
        %add3A_341 = arith.addf %add3A_298, %mul3A_340 : vector<16xf32>
        %mul3A_342 = arith.constant 16 : i32
        %mul3A_343 = arith.muli %scan3A_68, %mul3A_342 : i32
        %add3A_344 = arith.constant 6 : i32
        %add3A_345 = arith.addi %mul3A_343, %add3A_344 : i32
        %get3A_346 = arith.index_cast %add3A_345 : i32 to index
        %get3A_347 = arith.constant 16 : index
        %get3A_348 = tpu.vector_load %arg14[%get3A_346, %get3A_347] {strides = array<i32>} : memref<16x64xf32, #tpu.memory_space<vmem>>, vector<1x16xf32>,
        %get3A_349 = vector.shape_cast %get3A_348 : vector<1x16xf32> to vector<16xf32>
        %mul3A_350 = arith.mulf %broadcast_in_dim3A_331, %get3A_349 : vector<16xf32>
        %add3A_351 = arith.addf %add3A_308, %mul3A_350 : vector<16xf32>
        %mul3A_352 = arith.constant 16 : i32
        %mul3A_353 = arith.muli %scan3A_68, %mul3A_352 : i32
        %add3A_354 = arith.constant 6 : i32
        %add3A_355 = arith.addi %mul3A_353, %add3A_354 : i32
        %get3A_356 = arith.index_cast %add3A_355 : i32 to index
        %get3A_357 = arith.constant 32 : index
        %get3A_358 = tpu.vector_load %arg14[%get3A_356, %get3A_357] {strides = array<i32>} : memref<16x64xf32, #tpu.memory_space<vmem>>, vector<1x16xf32>,
        %get3A_359 = vector.shape_cast %get3A_358 : vector<1x16xf32> to vector<16xf32>
        %mul3A_360 = arith.mulf %broadcast_in_dim3A_331, %get3A_359 : vector<16xf32>
        %add3A_361 = arith.addf %add3A_318, %mul3A_360 : vector<16xf32>
        %mul3A_362 = arith.constant 16 : i32
        %mul3A_363 = arith.muli %scan3A_68, %mul3A_362 : i32
        %add3A_364 = arith.constant 6 : i32
        %add3A_365 = arith.addi %mul3A_363, %add3A_364 : i32
        %get3A_366 = arith.index_cast %add3A_365 : i32 to index
        %get3A_367 = arith.constant 48 : index
        %get3A_368 = tpu.vector_load %arg14[%get3A_366, %get3A_367] {strides = array<i32>} : memref<16x64xf32, #tpu.memory_space<vmem>>, vector<1x16xf32>,
        %get3A_369 = vector.shape_cast %get3A_368 : vector<1x16xf32> to vector<16xf32>
        %mul3A_370 = arith.mulf %broadcast_in_dim3A_331, %get3A_369 : vector<16xf32>
        %add3A_371 = arith.addf %add3A_328, %mul3A_370 : vector<16xf32>
        %slice3A_372 = vector.extract_strided_slice %get3A_73 {offsets = [7], sizes = [1], strides = [1]} : vector<16xf32> to vector<1xf32>
        %squeeze3A_373 = vector.extract %slice3A_372[0] : f32 from vector<1xf32>
        %broadcast_in_dim3A_374 = vector.broadcast %squeeze3A_373 : f32 to vector<16xf32>
        %mul3A_375 = arith.constant 16 : i32
        %mul3A_376 = arith.muli %scan3A_68, %mul3A_375 : i32
        %add3A_377 = arith.constant 7 : i32
        %add3A_378 = arith.addi %mul3A_376, %add3A_377 : i32
        %get3A_379 = arith.index_cast %add3A_378 : i32 to index
        %get3A_380 = arith.constant 0 : index
        %get3A_381 = tpu.vector_load %arg14[%get3A_379, %get3A_380] {strides = array<i32>} : memref<16x64xf32, #tpu.memory_space<vmem>>, vector<1x16xf32>,
        %get3A_382 = vector.shape_cast %get3A_381 : vector<1x16xf32> to vector<16xf32>
        %mul3A_383 = arith.mulf %broadcast_in_dim3A_374, %get3A_382 : vector<16xf32>
        %add3A_384 = arith.addf %add3A_341, %mul3A_383 : vector<16xf32>
        %mul3A_385 = arith.constant 16 : i32
        %mul3A_386 = arith.muli %scan3A_68, %mul3A_385 : i32
        %add3A_387 = arith.constant 7 : i32
        %add3A_388 = arith.addi %mul3A_386, %add3A_387 : i32
        %get3A_389 = arith.index_cast %add3A_388 : i32 to index
        %get3A_390 = arith.constant 16 : index
        %get3A_391 = tpu.vector_load %arg14[%get3A_389, %get3A_390] {strides = array<i32>} : memref<16x64xf32, #tpu.memory_space<vmem>>, vector<1x16xf32>,
        %get3A_392 = vector.shape_cast %get3A_391 : vector<1x16xf32> to vector<16xf32>
        %mul3A_393 = arith.mulf %broadcast_in_dim3A_374, %get3A_392 : vector<16xf32>
        %add3A_394 = arith.addf %add3A_351, %mul3A_393 : vector<16xf32>
        %mul3A_395 = arith.constant 16 : i32
        %mul3A_396 = arith.muli %scan3A_68, %mul3A_395 : i32
        %add3A_397 = arith.constant 7 : i32
        %add3A_398 = arith.addi %mul3A_396, %add3A_397 : i32
        %get3A_399 = arith.index_cast %add3A_398 : i32 to index
        %get3A_400 = arith.constant 32 : index
        %get3A_401 = tpu.vector_load %arg14[%get3A_399, %get3A_400] {strides = array<i32>} : memref<16x64xf32, #tpu.memory_space<vmem>>, vector<1x16xf32>,
        %get3A_402 = vector.shape_cast %get3A_401 : vector<1x16xf32> to vector<16xf32>
        %mul3A_403 = arith.mulf %broadcast_in_dim3A_374, %get3A_402 : vector<16xf32>
        %add3A_404 = arith.addf %add3A_361, %mul3A_403 : vector<16xf32>
        %mul3A_405 = arith.constant 16 : i32
        %mul3A_406 = arith.muli %scan3A_68, %mul3A_405 : i32
        %add3A_407 = arith.constant 7 : i32
        %add3A_408 = arith.addi %mul3A_406, %add3A_407 : i32
        %get3A_409 = arith.index_cast %add3A_408 : i32 to index
        %get3A_410 = arith.constant 48 : index
        %get3A_411 = tpu.vector_load %arg14[%get3A_409, %get3A_410] {strides = array<i32>} : memref<16x64xf32, #tpu.memory_space<vmem>>, vector<1x16xf32>,
        %get3A_412 = vector.shape_cast %get3A_411 : vector<1x16xf32> to vector<16xf32>
        %mul3A_413 = arith.mulf %broadcast_in_dim3A_374, %get3A_412 : vector<16xf32>
        %add3A_414 = arith.addf %add3A_371, %mul3A_413 : vector<16xf32>
        %slice3A_415 = vector.extract_strided_slice %get3A_73 {offsets = [8], sizes = [1], strides = [1]} : vector<16xf32> to vector<1xf32>
        %squeeze3A_416 = vector.extract %slice3A_415[0] : f32 from vector<1xf32>
        %broadcast_in_dim3A_417 = vector.broadcast %squeeze3A_416 : f32 to vector<16xf32>
        %mul3A_418 = arith.constant 16 : i32
        %mul3A_419 = arith.muli %scan3A_68, %mul3A_418 : i32
        %add3A_420 = arith.constant 8 : i32
        %add3A_421 = arith.addi %mul3A_419, %add3A_420 : i32
        %get3A_422 = arith.index_cast %add3A_421 : i32 to index
        %get3A_423 = arith.constant 0 : index
        %get3A_424 = tpu.vector_load %arg14[%get3A_422, %get3A_423] {strides = array<i32>} : memref<16x64xf32, #tpu.memory_space<vmem>>, vector<1x16xf32>,
        %get3A_425 = vector.shape_cast %get3A_424 : vector<1x16xf32> to vector<16xf32>
        %mul3A_426 = arith.mulf %broadcast_in_dim3A_417, %get3A_425 : vector<16xf32>
        %add3A_427 = arith.addf %add3A_384, %mul3A_426 : vector<16xf32>
        %mul3A_428 = arith.constant 16 : i32
        %mul3A_429 = arith.muli %scan3A_68, %mul3A_428 : i32
        %add3A_430 = arith.constant 8 : i32
        %add3A_431 = arith.addi %mul3A_429, %add3A_430 : i32
        %get3A_432 = arith.index_cast %add3A_431 : i32 to index
        %get3A_433 = arith.constant 16 : index
        %get3A_434 = tpu.vector_load %arg14[%get3A_432, %get3A_433] {strides = array<i32>} : memref<16x64xf32, #tpu.memory_space<vmem>>, vector<1x16xf32>,
        %get3A_435 = vector.shape_cast %get3A_434 : vector<1x16xf32> to vector<16xf32>
        %mul3A_436 = arith.mulf %broadcast_in_dim3A_417, %get3A_435 : vector<16xf32>
        %add3A_437 = arith.addf %add3A_394, %mul3A_436 : vector<16xf32>
        %mul3A_438 = arith.constant 16 : i32
        %mul3A_439 = arith.muli %scan3A_68, %mul3A_438 : i32
        %add3A_440 = arith.constant 8 : i32
        %add3A_441 = arith.addi %mul3A_439, %add3A_440 : i32
        %get3A_442 = arith.index_cast %add3A_441 : i32 to index
        %get3A_443 = arith.constant 32 : index
        %get3A_444 = tpu.vector_load %arg14[%get3A_442, %get3A_443] {strides = array<i32>} : memref<16x64xf32, #tpu.memory_space<vmem>>, vector<1x16xf32>,
        %get3A_445 = vector.shape_cast %get3A_444 : vector<1x16xf32> to vector<16xf32>
        %mul3A_446 = arith.mulf %broadcast_in_dim3A_417, %get3A_445 : vector<16xf32>
        %add3A_447 = arith.addf %add3A_404, %mul3A_446 : vector<16xf32>
        %mul3A_448 = arith.constant 16 : i32
        %mul3A_449 = arith.muli %scan3A_68, %mul3A_448 : i32
        %add3A_450 = arith.constant 8 : i32
        %add3A_451 = arith.addi %mul3A_449, %add3A_450 : i32
        %get3A_452 = arith.index_cast %add3A_451 : i32 to index
        %get3A_453 = arith.constant 48 : index
        %get3A_454 = tpu.vector_load %arg14[%get3A_452, %get3A_453] {strides = array<i32>} : memref<16x64xf32, #tpu.memory_space<vmem>>, vector<1x16xf32>,
        %get3A_455 = vector.shape_cast %get3A_454 : vector<1x16xf32> to vector<16xf32>
        %mul3A_456 = arith.mulf %broadcast_in_dim3A_417, %get3A_455 : vector<16xf32>
        %add3A_457 = arith.addf %add3A_414, %mul3A_456 : vector<16xf32>
        %slice3A_458 = vector.extract_strided_slice %get3A_73 {offsets = [9], sizes = [1], strides = [1]} : vector<16xf32> to vector<1xf32>
        %squeeze3A_459 = vector.extract %slice3A_458[0] : f32 from vector<1xf32>
        %broadcast_in_dim3A_460 = vector.broadcast %squeeze3A_459 : f32 to vector<16xf32>
        %mul3A_461 = arith.constant 16 : i32
        %mul3A_462 = arith.muli %scan3A_68, %mul3A_461 : i32
        %add3A_463 = arith.constant 9 : i32
        %add3A_464 = arith.addi %mul3A_462, %add3A_463 : i32
        %get3A_465 = arith.index_cast %add3A_464 : i32 to index
        %get3A_466 = arith.constant 0 : index
        %get3A_467 = tpu.vector_load %arg14[%get3A_465, %get3A_466] {strides = array<i32>} : memref<16x64xf32, #tpu.memory_space<vmem>>, vector<1x16xf32>,
        %get3A_468 = vector.shape_cast %get3A_467 : vector<1x16xf32> to vector<16xf32>
        %mul3A_469 = arith.mulf %broadcast_in_dim3A_460, %get3A_468 : vector<16xf32>
        %add3A_470 = arith.addf %add3A_427, %mul3A_469 : vector<16xf32>
        %mul3A_471 = arith.constant 16 : i32
        %mul3A_472 = arith.muli %scan3A_68, %mul3A_471 : i32
        %add3A_473 = arith.constant 9 : i32
        %add3A_474 = arith.addi %mul3A_472, %add3A_473 : i32
        %get3A_475 = arith.index_cast %add3A_474 : i32 to index
        %get3A_476 = arith.constant 16 : index
        %get3A_477 = tpu.vector_load %arg14[%get3A_475, %get3A_476] {strides = array<i32>} : memref<16x64xf32, #tpu.memory_space<vmem>>, vector<1x16xf32>,
        %get3A_478 = vector.shape_cast %get3A_477 : vector<1x16xf32> to vector<16xf32>
        %mul3A_479 = arith.mulf %broadcast_in_dim3A_460, %get3A_478 : vector<16xf32>
        %add3A_480 = arith.addf %add3A_437, %mul3A_479 : vector<16xf32>
        %mul3A_481 = arith.constant 16 : i32
        %mul3A_482 = arith.muli %scan3A_68, %mul3A_481 : i32
        %add3A_483 = arith.constant 9 : i32
        %add3A_484 = arith.addi %mul3A_482, %add3A_483 : i32
        %get3A_485 = arith.index_cast %add3A_484 : i32 to index
        %get3A_486 = arith.constant 32 : index
        %get3A_487 = tpu.vector_load %arg14[%get3A_485, %get3A_486] {strides = array<i32>} : memref<16x64xf32, #tpu.memory_space<vmem>>, vector<1x16xf32>,
        %get3A_488 = vector.shape_cast %get3A_487 : vector<1x16xf32> to vector<16xf32>
        %mul3A_489 = arith.mulf %broadcast_in_dim3A_460, %get3A_488 : vector<16xf32>
        %add3A_490 = arith.addf %add3A_447, %mul3A_489 : vector<16xf32>
        %mul3A_491 = arith.constant 16 : i32
        %mul3A_492 = arith.muli %scan3A_68, %mul3A_491 : i32
        %add3A_493 = arith.constant 9 : i32
        %add3A_494 = arith.addi %mul3A_492, %add3A_493 : i32
        %get3A_495 = arith.index_cast %add3A_494 : i32 to index
        %get3A_496 = arith.constant 48 : index
        %get3A_497 = tpu.vector_load %arg14[%get3A_495, %get3A_496] {strides = array<i32>} : memref<16x64xf32, #tpu.memory_space<vmem>>, vector<1x16xf32>,
        %get3A_498 = vector.shape_cast %get3A_497 : vector<1x16xf32> to vector<16xf32>
        %mul3A_499 = arith.mulf %broadcast_in_dim3A_460, %get3A_498 : vector<16xf32>
        %add3A_500 = arith.addf %add3A_457, %mul3A_499 : vector<16xf32>
        %slice3A_501 = vector.extract_strided_slice %get3A_73 {offsets = [10], sizes = [1], strides = [1]} : vector<16xf32> to vector<1xf32>
        %squeeze3A_502 = vector.extract %slice3A_501[0] : f32 from vector<1xf32>
        %broadcast_in_dim3A_503 = vector.broadcast %squeeze3A_502 : f32 to vector<16xf32>
        %mul3A_504 = arith.constant 16 : i32
        %mul3A_505 = arith.muli %scan3A_68, %mul3A_504 : i32
        %add3A_506 = arith.constant 10 : i32
        %add3A_507 = arith.addi %mul3A_505, %add3A_506 : i32
        %get3A_508 = arith.index_cast %add3A_507 : i32 to index
        %get3A_509 = arith.constant 0 : index
        %get3A_510 = tpu.vector_load %arg14[%get3A_508, %get3A_509] {strides = array<i32>} : memref<16x64xf32, #tpu.memory_space<vmem>>, vector<1x16xf32>,
        %get3A_511 = vector.shape_cast %get3A_510 : vector<1x16xf32> to vector<16xf32>
        %mul3A_512 = arith.mulf %broadcast_in_dim3A_503, %get3A_511 : vector<16xf32>
        %add3A_513 = arith.addf %add3A_470, %mul3A_512 : vector<16xf32>
        %mul3A_514 = arith.constant 16 : i32
        %mul3A_515 = arith.muli %scan3A_68, %mul3A_514 : i32
        %add3A_516 = arith.constant 10 : i32
        %add3A_517 = arith.addi %mul3A_515, %add3A_516 : i32
        %get3A_518 = arith.index_cast %add3A_517 : i32 to index
        %get3A_519 = arith.constant 16 : index
        %get3A_520 = tpu.vector_load %arg14[%get3A_518, %get3A_519] {strides = array<i32>} : memref<16x64xf32, #tpu.memory_space<vmem>>, vector<1x16xf32>,
        %get3A_521 = vector.shape_cast %get3A_520 : vector<1x16xf32> to vector<16xf32>
        %mul3A_522 = arith.mulf %broadcast_in_dim3A_503, %get3A_521 : vector<16xf32>
        %add3A_523 = arith.addf %add3A_480, %mul3A_522 : vector<16xf32>
        %mul3A_524 = arith.constant 16 : i32
        %mul3A_525 = arith.muli %scan3A_68, %mul3A_524 : i32
        %add3A_526 = arith.constant 10 : i32
        %add3A_527 = arith.addi %mul3A_525, %add3A_526 : i32
        %get3A_528 = arith.index_cast %add3A_527 : i32 to index
        %get3A_529 = arith.constant 32 : index
        %get3A_530 = tpu.vector_load %arg14[%get3A_528, %get3A_529] {strides = array<i32>} : memref<16x64xf32, #tpu.memory_space<vmem>>, vector<1x16xf32>,
        %get3A_531 = vector.shape_cast %get3A_530 : vector<1x16xf32> to vector<16xf32>
        %mul3A_532 = arith.mulf %broadcast_in_dim3A_503, %get3A_531 : vector<16xf32>
        %add3A_533 = arith.addf %add3A_490, %mul3A_532 : vector<16xf32>
        %mul3A_534 = arith.constant 16 : i32
        %mul3A_535 = arith.muli %scan3A_68, %mul3A_534 : i32
        %add3A_536 = arith.constant 10 : i32
        %add3A_537 = arith.addi %mul3A_535, %add3A_536 : i32
        %get3A_538 = arith.index_cast %add3A_537 : i32 to index
        %get3A_539 = arith.constant 48 : index
        %get3A_540 = tpu.vector_load %arg14[%get3A_538, %get3A_539] {strides = array<i32>} : memref<16x64xf32, #tpu.memory_space<vmem>>, vector<1x16xf32>,
        %get3A_541 = vector.shape_cast %get3A_540 : vector<1x16xf32> to vector<16xf32>
        %mul3A_542 = arith.mulf %broadcast_in_dim3A_503, %get3A_541 : vector<16xf32>
        %add3A_543 = arith.addf %add3A_500, %mul3A_542 : vector<16xf32>
        %slice3A_544 = vector.extract_strided_slice %get3A_73 {offsets = [11], sizes = [1], strides = [1]} : vector<16xf32> to vector<1xf32>
        %squeeze3A_545 = vector.extract %slice3A_544[0] : f32 from vector<1xf32>
        %broadcast_in_dim3A_546 = vector.broadcast %squeeze3A_545 : f32 to vector<16xf32>
        %mul3A_547 = arith.constant 16 : i32
        %mul3A_548 = arith.muli %scan3A_68, %mul3A_547 : i32
        %add3A_549 = arith.constant 11 : i32
        %add3A_550 = arith.addi %mul3A_548, %add3A_549 : i32
        %get3A_551 = arith.index_cast %add3A_550 : i32 to index
        %get3A_552 = arith.constant 0 : index
        %get3A_553 = tpu.vector_load %arg14[%get3A_551, %get3A_552] {strides = array<i32>} : memref<16x64xf32, #tpu.memory_space<vmem>>, vector<1x16xf32>,
        %get3A_554 = vector.shape_cast %get3A_553 : vector<1x16xf32> to vector<16xf32>
        %mul3A_555 = arith.mulf %broadcast_in_dim3A_546, %get3A_554 : vector<16xf32>
        %add3A_556 = arith.addf %add3A_513, %mul3A_555 : vector<16xf32>
        %mul3A_557 = arith.constant 16 : i32
        %mul3A_558 = arith.muli %scan3A_68, %mul3A_557 : i32
        %add3A_559 = arith.constant 11 : i32
        %add3A_560 = arith.addi %mul3A_558, %add3A_559 : i32
        %get3A_561 = arith.index_cast %add3A_560 : i32 to index
        %get3A_562 = arith.constant 16 : index
        %get3A_563 = tpu.vector_load %arg14[%get3A_561, %get3A_562] {strides = array<i32>} : memref<16x64xf32, #tpu.memory_space<vmem>>, vector<1x16xf32>,
        %get3A_564 = vector.shape_cast %get3A_563 : vector<1x16xf32> to vector<16xf32>
        %mul3A_565 = arith.mulf %broadcast_in_dim3A_546, %get3A_564 : vector<16xf32>
        %add3A_566 = arith.addf %add3A_523, %mul3A_565 : vector<16xf32>
        %mul3A_567 = arith.constant 16 : i32
        %mul3A_568 = arith.muli %scan3A_68, %mul3A_567 : i32
        %add3A_569 = arith.constant 11 : i32
        %add3A_570 = arith.addi %mul3A_568, %add3A_569 : i32
        %get3A_571 = arith.index_cast %add3A_570 : i32 to index
        %get3A_572 = arith.constant 32 : index
        %get3A_573 = tpu.vector_load %arg14[%get3A_571, %get3A_572] {strides = array<i32>} : memref<16x64xf32, #tpu.memory_space<vmem>>, vector<1x16xf32>,
        %get3A_574 = vector.shape_cast %get3A_573 : vector<1x16xf32> to vector<16xf32>
        %mul3A_575 = arith.mulf %broadcast_in_dim3A_546, %get3A_574 : vector<16xf32>
        %add3A_576 = arith.addf %add3A_533, %mul3A_575 : vector<16xf32>
        %mul3A_577 = arith.constant 16 : i32
        %mul3A_578 = arith.muli %scan3A_68, %mul3A_577 : i32
        %add3A_579 = arith.constant 11 : i32
        %add3A_580 = arith.addi %mul3A_578, %add3A_579 : i32
        %get3A_581 = arith.index_cast %add3A_580 : i32 to index
        %get3A_582 = arith.constant 48 : index
        %get3A_583 = tpu.vector_load %arg14[%get3A_581, %get3A_582] {strides = array<i32>} : memref<16x64xf32, #tpu.memory_space<vmem>>, vector<1x16xf32>,
        %get3A_584 = vector.shape_cast %get3A_583 : vector<1x16xf32> to vector<16xf32>
        %mul3A_585 = arith.mulf %broadcast_in_dim3A_546, %get3A_584 : vector<16xf32>
        %add3A_586 = arith.addf %add3A_543, %mul3A_585 : vector<16xf32>
        %slice3A_587 = vector.extract_strided_slice %get3A_73 {offsets = [12], sizes = [1], strides = [1]} : vector<16xf32> to vector<1xf32>
        %squeeze3A_588 = vector.extract %slice3A_587[0] : f32 from vector<1xf32>
        %broadcast_in_dim3A_589 = vector.broadcast %squeeze3A_588 : f32 to vector<16xf32>
        %mul3A_590 = arith.constant 16 : i32
        %mul3A_591 = arith.muli %scan3A_68, %mul3A_590 : i32
        %add3A_592 = arith.constant 12 : i32
        %add3A_593 = arith.addi %mul3A_591, %add3A_592 : i32
        %get3A_594 = arith.index_cast %add3A_593 : i32 to index
        %get3A_595 = arith.constant 0 : index
        %get3A_596 = tpu.vector_load %arg14[%get3A_594, %get3A_595] {strides = array<i32>} : memref<16x64xf32, #tpu.memory_space<vmem>>, vector<1x16xf32>,
        %get3A_597 = vector.shape_cast %get3A_596 : vector<1x16xf32> to vector<16xf32>
        %mul3A_598 = arith.mulf %broadcast_in_dim3A_589, %get3A_597 : vector<16xf32>
        %add3A_599 = arith.addf %add3A_556, %mul3A_598 : vector<16xf32>
        %mul3A_600 = arith.constant 16 : i32
        %mul3A_601 = arith.muli %scan3A_68, %mul3A_600 : i32
        %add3A_602 = arith.constant 12 : i32
        %add3A_603 = arith.addi %mul3A_601, %add3A_602 : i32
        %get3A_604 = arith.index_cast %add3A_603 : i32 to index
        %get3A_605 = arith.constant 16 : index
        %get3A_606 = tpu.vector_load %arg14[%get3A_604, %get3A_605] {strides = array<i32>} : memref<16x64xf32, #tpu.memory_space<vmem>>, vector<1x16xf32>,
        %get3A_607 = vector.shape_cast %get3A_606 : vector<1x16xf32> to vector<16xf32>
        %mul3A_608 = arith.mulf %broadcast_in_dim3A_589, %get3A_607 : vector<16xf32>
        %add3A_609 = arith.addf %add3A_566, %mul3A_608 : vector<16xf32>
        %mul3A_610 = arith.constant 16 : i32
        %mul3A_611 = arith.muli %scan3A_68, %mul3A_610 : i32
        %add3A_612 = arith.constant 12 : i32
        %add3A_613 = arith.addi %mul3A_611, %add3A_612 : i32
        %get3A_614 = arith.index_cast %add3A_613 : i32 to index
        %get3A_615 = arith.constant 32 : index
        %get3A_616 = tpu.vector_load %arg14[%get3A_614, %get3A_615] {strides = array<i32>} : memref<16x64xf32, #tpu.memory_space<vmem>>, vector<1x16xf32>,
        %get3A_617 = vector.shape_cast %get3A_616 : vector<1x16xf32> to vector<16xf32>
        %mul3A_618 = arith.mulf %broadcast_in_dim3A_589, %get3A_617 : vector<16xf32>
        %add3A_619 = arith.addf %add3A_576, %mul3A_618 : vector<16xf32>
        %mul3A_620 = arith.constant 16 : i32
        %mul3A_621 = arith.muli %scan3A_68, %mul3A_620 : i32
        %add3A_622 = arith.constant 12 : i32
        %add3A_623 = arith.addi %mul3A_621, %add3A_622 : i32
        %get3A_624 = arith.index_cast %add3A_623 : i32 to index
        %get3A_625 = arith.constant 48 : index
        %get3A_626 = tpu.vector_load %arg14[%get3A_624, %get3A_625] {strides = array<i32>} : memref<16x64xf32, #tpu.memory_space<vmem>>, vector<1x16xf32>,
        %get3A_627 = vector.shape_cast %get3A_626 : vector<1x16xf32> to vector<16xf32>
        %mul3A_628 = arith.mulf %broadcast_in_dim3A_589, %get3A_627 : vector<16xf32>
        %add3A_629 = arith.addf %add3A_586, %mul3A_628 : vector<16xf32>
        %slice3A_630 = vector.extract_strided_slice %get3A_73 {offsets = [13], sizes = [1], strides = [1]} : vector<16xf32> to vector<1xf32>
        %squeeze3A_631 = vector.extract %slice3A_630[0] : f32 from vector<1xf32>
        %broadcast_in_dim3A_632 = vector.broadcast %squeeze3A_631 : f32 to vector<16xf32>
        %mul3A_633 = arith.constant 16 : i32
        %mul3A_634 = arith.muli %scan3A_68, %mul3A_633 : i32
        %add3A_635 = arith.constant 13 : i32
        %add3A_636 = arith.addi %mul3A_634, %add3A_635 : i32
        %get3A_637 = arith.index_cast %add3A_636 : i32 to index
        %get3A_638 = arith.constant 0 : index
        %get3A_639 = tpu.vector_load %arg14[%get3A_637, %get3A_638] {strides = array<i32>} : memref<16x64xf32, #tpu.memory_space<vmem>>, vector<1x16xf32>,
        %get3A_640 = vector.shape_cast %get3A_639 : vector<1x16xf32> to vector<16xf32>
        %mul3A_641 = arith.mulf %broadcast_in_dim3A_632, %get3A_640 : vector<16xf32>
        %add3A_642 = arith.addf %add3A_599, %mul3A_641 : vector<16xf32>
        %mul3A_643 = arith.constant 16 : i32
        %mul3A_644 = arith.muli %scan3A_68, %mul3A_643 : i32
        %add3A_645 = arith.constant 13 : i32
        %add3A_646 = arith.addi %mul3A_644, %add3A_645 : i32
        %get3A_647 = arith.index_cast %add3A_646 : i32 to index
        %get3A_648 = arith.constant 16 : index
        %get3A_649 = tpu.vector_load %arg14[%get3A_647, %get3A_648] {strides = array<i32>} : memref<16x64xf32, #tpu.memory_space<vmem>>, vector<1x16xf32>,
        %get3A_650 = vector.shape_cast %get3A_649 : vector<1x16xf32> to vector<16xf32>
        %mul3A_651 = arith.mulf %broadcast_in_dim3A_632, %get3A_650 : vector<16xf32>
        %add3A_652 = arith.addf %add3A_609, %mul3A_651 : vector<16xf32>
        %mul3A_653 = arith.constant 16 : i32
        %mul3A_654 = arith.muli %scan3A_68, %mul3A_653 : i32
        %add3A_655 = arith.constant 13 : i32
        %add3A_656 = arith.addi %mul3A_654, %add3A_655 : i32
        %get3A_657 = arith.index_cast %add3A_656 : i32 to index
        %get3A_658 = arith.constant 32 : index
        %get3A_659 = tpu.vector_load %arg14[%get3A_657, %get3A_658] {strides = array<i32>} : memref<16x64xf32, #tpu.memory_space<vmem>>, vector<1x16xf32>,
        %get3A_660 = vector.shape_cast %get3A_659 : vector<1x16xf32> to vector<16xf32>
        %mul3A_661 = arith.mulf %broadcast_in_dim3A_632, %get3A_660 : vector<16xf32>
        %add3A_662 = arith.addf %add3A_619, %mul3A_661 : vector<16xf32>
        %mul3A_663 = arith.constant 16 : i32
        %mul3A_664 = arith.muli %scan3A_68, %mul3A_663 : i32
        %add3A_665 = arith.constant 13 : i32
        %add3A_666 = arith.addi %mul3A_664, %add3A_665 : i32
        %get3A_667 = arith.index_cast %add3A_666 : i32 to index
        %get3A_668 = arith.constant 48 : index
        %get3A_669 = tpu.vector_load %arg14[%get3A_667, %get3A_668] {strides = array<i32>} : memref<16x64xf32, #tpu.memory_space<vmem>>, vector<1x16xf32>,
        %get3A_670 = vector.shape_cast %get3A_669 : vector<1x16xf32> to vector<16xf32>
        %mul3A_671 = arith.mulf %broadcast_in_dim3A_632, %get3A_670 : vector<16xf32>
        %add3A_672 = arith.addf %add3A_629, %mul3A_671 : vector<16xf32>
        %slice3A_673 = vector.extract_strided_slice %get3A_73 {offsets = [14], sizes = [1], strides = [1]} : vector<16xf32> to vector<1xf32>
        %squeeze3A_674 = vector.extract %slice3A_673[0] : f32 from vector<1xf32>
        %broadcast_in_dim3A_675 = vector.broadcast %squeeze3A_674 : f32 to vector<16xf32>
        %mul3A_676 = arith.constant 16 : i32
        %mul3A_677 = arith.muli %scan3A_68, %mul3A_676 : i32
        %add3A_678 = arith.constant 14 : i32
        %add3A_679 = arith.addi %mul3A_677, %add3A_678 : i32
        %get3A_680 = arith.index_cast %add3A_679 : i32 to index
        %get3A_681 = arith.constant 0 : index
        %get3A_682 = tpu.vector_load %arg14[%get3A_680, %get3A_681] {strides = array<i32>} : memref<16x64xf32, #tpu.memory_space<vmem>>, vector<1x16xf32>,
        %get3A_683 = vector.shape_cast %get3A_682 : vector<1x16xf32> to vector<16xf32>
        %mul3A_684 = arith.mulf %broadcast_in_dim3A_675, %get3A_683 : vector<16xf32>
        %add3A_685 = arith.addf %add3A_642, %mul3A_684 : vector<16xf32>
        %mul3A_686 = arith.constant 16 : i32
        %mul3A_687 = arith.muli %scan3A_68, %mul3A_686 : i32
        %add3A_688 = arith.constant 14 : i32
        %add3A_689 = arith.addi %mul3A_687, %add3A_688 : i32
        %get3A_690 = arith.index_cast %add3A_689 : i32 to index
        %get3A_691 = arith.constant 16 : index
        %get3A_692 = tpu.vector_load %arg14[%get3A_690, %get3A_691] {strides = array<i32>} : memref<16x64xf32, #tpu.memory_space<vmem>>, vector<1x16xf32>,
        %get3A_693 = vector.shape_cast %get3A_692 : vector<1x16xf32> to vector<16xf32>
        %mul3A_694 = arith.mulf %broadcast_in_dim3A_675, %get3A_693 : vector<16xf32>
        %add3A_695 = arith.addf %add3A_652, %mul3A_694 : vector<16xf32>
        %mul3A_696 = arith.constant 16 : i32
        %mul3A_697 = arith.muli %scan3A_68, %mul3A_696 : i32
        %add3A_698 = arith.constant 14 : i32
        %add3A_699 = arith.addi %mul3A_697, %add3A_698 : i32
        %get3A_700 = arith.index_cast %add3A_699 : i32 to index
        %get3A_701 = arith.constant 32 : index
        %get3A_702 = tpu.vector_load %arg14[%get3A_700, %get3A_701] {strides = array<i32>} : memref<16x64xf32, #tpu.memory_space<vmem>>, vector<1x16xf32>,
        %get3A_703 = vector.shape_cast %get3A_702 : vector<1x16xf32> to vector<16xf32>
        %mul3A_704 = arith.mulf %broadcast_in_dim3A_675, %get3A_703 : vector<16xf32>
        %add3A_705 = arith.addf %add3A_662, %mul3A_704 : vector<16xf32>
        %mul3A_706 = arith.constant 16 : i32
        %mul3A_707 = arith.muli %scan3A_68, %mul3A_706 : i32
        %add3A_708 = arith.constant 14 : i32
        %add3A_709 = arith.addi %mul3A_707, %add3A_708 : i32
        %get3A_710 = arith.index_cast %add3A_709 : i32 to index
        %get3A_711 = arith.constant 48 : index
        %get3A_712 = tpu.vector_load %arg14[%get3A_710, %get3A_711] {strides = array<i32>} : memref<16x64xf32, #tpu.memory_space<vmem>>, vector<1x16xf32>,
        %get3A_713 = vector.shape_cast %get3A_712 : vector<1x16xf32> to vector<16xf32>
        %mul3A_714 = arith.mulf %broadcast_in_dim3A_675, %get3A_713 : vector<16xf32>
        %add3A_715 = arith.addf %add3A_672, %mul3A_714 : vector<16xf32>
        %slice3A_716 = vector.extract_strided_slice %get3A_73 {offsets = [15], sizes = [1], strides = [1]} : vector<16xf32> to vector<1xf32>
        %squeeze3A_717 = vector.extract %slice3A_716[0] : f32 from vector<1xf32>
        %broadcast_in_dim3A_718 = vector.broadcast %squeeze3A_717 : f32 to vector<16xf32>
        %mul3A_719 = arith.constant 16 : i32
        %mul3A_720 = arith.muli %scan3A_68, %mul3A_719 : i32
        %add3A_721 = arith.constant 15 : i32
        %add3A_722 = arith.addi %mul3A_720, %add3A_721 : i32
        %get3A_723 = arith.index_cast %add3A_722 : i32 to index
        %get3A_724 = arith.constant 0 : index
        %get3A_725 = tpu.vector_load %arg14[%get3A_723, %get3A_724] {strides = array<i32>} : memref<16x64xf32, #tpu.memory_space<vmem>>, vector<1x16xf32>,
        %get3A_726 = vector.shape_cast %get3A_725 : vector<1x16xf32> to vector<16xf32>
        %mul3A_727 = arith.mulf %broadcast_in_dim3A_718, %get3A_726 : vector<16xf32>
        %add3A_728 = arith.addf %add3A_685, %mul3A_727 : vector<16xf32>
        %mul3A_729 = arith.constant 16 : i32
        %mul3A_730 = arith.muli %scan3A_68, %mul3A_729 : i32
        %add3A_731 = arith.constant 15 : i32
        %add3A_732 = arith.addi %mul3A_730, %add3A_731 : i32
        %get3A_733 = arith.index_cast %add3A_732 : i32 to index
        %get3A_734 = arith.constant 16 : index
        %get3A_735 = tpu.vector_load %arg14[%get3A_733, %get3A_734] {strides = array<i32>} : memref<16x64xf32, #tpu.memory_space<vmem>>, vector<1x16xf32>,
        %get3A_736 = vector.shape_cast %get3A_735 : vector<1x16xf32> to vector<16xf32>
        %mul3A_737 = arith.mulf %broadcast_in_dim3A_718, %get3A_736 : vector<16xf32>
        %add3A_738 = arith.addf %add3A_695, %mul3A_737 : vector<16xf32>
        %mul3A_739 = arith.constant 16 : i32
        %mul3A_740 = arith.muli %scan3A_68, %mul3A_739 : i32
        %add3A_741 = arith.constant 15 : i32
        %add3A_742 = arith.addi %mul3A_740, %add3A_741 : i32
        %get3A_743 = arith.index_cast %add3A_742 : i32 to index
        %get3A_744 = arith.constant 32 : index
        %get3A_745 = tpu.vector_load %arg14[%get3A_743, %get3A_744] {strides = array<i32>} : memref<16x64xf32, #tpu.memory_space<vmem>>, vector<1x16xf32>,
        %get3A_746 = vector.shape_cast %get3A_745 : vector<1x16xf32> to vector<16xf32>
        %mul3A_747 = arith.mulf %broadcast_in_dim3A_718, %get3A_746 : vector<16xf32>
        %add3A_748 = arith.addf %add3A_705, %mul3A_747 : vector<16xf32>
        %mul3A_749 = arith.constant 16 : i32
        %mul3A_750 = arith.muli %scan3A_68, %mul3A_749 : i32
        %add3A_751 = arith.constant 15 : i32
        %add3A_752 = arith.addi %mul3A_750, %add3A_751 : i32
        %get3A_753 = arith.index_cast %add3A_752 : i32 to index
        %get3A_754 = arith.constant 48 : index
        %get3A_755 = tpu.vector_load %arg14[%get3A_753, %get3A_754] {strides = array<i32>} : memref<16x64xf32, #tpu.memory_space<vmem>>, vector<1x16xf32>,
        %get3A_756 = vector.shape_cast %get3A_755 : vector<1x16xf32> to vector<16xf32>
        %mul3A_757 = arith.mulf %broadcast_in_dim3A_718, %get3A_756 : vector<16xf32>
        %add3A_758 = arith.addf %add3A_715, %mul3A_757 : vector<16xf32>
        %scan3A_759 = arith.constant 1 : i32
        %swap3A_760 = arith.constant 0 : index
        %swap3A_761 = tpu.vector_load %arg18[%swap3A_760] {strides = array<i32>} : memref<64xf32, #tpu.memory_space<vmem>>, vector<16xf32>,
        %swap3A_762 = vector.shape_cast %swap3A_761 : vector<16xf32> to vector<16xf32>
        %swap3A_763 = vector.shape_cast %add3A_728 : vector<16xf32> to vector<16xf32>
        tpu.vector_store %arg18[%swap3A_760], %swap3A_763 {strides = array<i32>} : memref<64xf32, #tpu.memory_space<vmem>>, vector<16xf32>,
        %swap3A_764 = arith.constant 16 : index
        %swap3A_765 = tpu.vector_load %arg18[%swap3A_764] {strides = array<i32>} : memref<64xf32, #tpu.memory_space<vmem>>, vector<16xf32>,
        %swap3A_766 = vector.shape_cast %swap3A_765 : vector<16xf32> to vector<16xf32>
        %swap3A_767 = vector.shape_cast %add3A_738 : vector<16xf32> to vector<16xf32>
        tpu.vector_store %arg18[%swap3A_764], %swap3A_767 {strides = array<i32>} : memref<64xf32, #tpu.memory_space<vmem>>, vector<16xf32>,
        %swap3A_768 = arith.constant 32 : index
        %swap3A_769 = tpu.vector_load %arg18[%swap3A_768] {strides = array<i32>} : memref<64xf32, #tpu.memory_space<vmem>>, vector<16xf32>,
        %swap3A_770 = vector.shape_cast %swap3A_769 : vector<16xf32> to vector<16xf32>
        %swap3A_771 = vector.shape_cast %add3A_748 : vector<16xf32> to vector<16xf32>
        tpu.vector_store %arg18[%swap3A_768], %swap3A_771 {strides = array<i32>} : memref<64xf32, #tpu.memory_space<vmem>>, vector<16xf32>,
        %swap3A_772 = arith.constant 48 : index
        %swap3A_773 = tpu.vector_load %arg18[%swap3A_772] {strides = array<i32>} : memref<64xf32, #tpu.memory_space<vmem>>, vector<16xf32>,
        %swap3A_774 = vector.shape_cast %swap3A_773 : vector<16xf32> to vector<16xf32>
        %swap3A_775 = vector.shape_cast %add3A_758 : vector<16xf32> to vector<16xf32>
        tpu.vector_store %arg18[%swap3A_772], %swap3A_775 {strides = array<i32>} : memref<64xf32, #tpu.memory_space<vmem>>, vector<16xf32>,
        %jit3A = arith.constant 2 : i32
        %eq3A_776 = arith.constant 0 : i32
        %eq3A_777 = arith.cmpi eq, %jit3A, %eq3A_776 : i32
        %jit3A_778 = arith.constant 1 : i32
        %select_n3A = arith.select %eq3A_777, %jit3A_778, %jit3A : i32
        %rem3A = arith.remsi %scan3A_31, %select_n3A : i32
        %ne3A_779 = arith.constant 0 : i32
        %ne3A_780 = arith.cmpi ne, %rem3A, %ne3A_779 : i32
        %lt3A_781 = arith.constant 0 : i32
        %lt3A_782 = arith.cmpi slt, %rem3A, %lt3A_781 : i32
        %lt3A_783 = arith.constant 0 : i32
        %lt3A_784 = arith.cmpi slt, %select_n3A, %lt3A_783 : i32
        %ne3A_785 = arith.xori %lt3A_782, %lt3A_784 : i1
        %and3A_786 = arith.andi %ne3A_785, %ne3A_780 : i1
        %add3A_787 = arith.addi %rem3A, %select_n3A : i32
        %select_n3A_788 = arith.select %and3A_786, %add3A_787, %rem3A : i32
        "tpu.region"() ({
          %run_scoped3A = tpu.sem_alloc : memref<!tpu.dma_semaphore, #tpu.memory_space<semaphore_mem>>
          %dma_start3A = arith.constant 0 : i32
          %dma_start3A_789 = tpu.memref_slice %arg21[%select_n3A_788, %arg1, %dma_start3A] : memref<2x8x64xf32, #tpu.memory_space<vmem_shared>> -> memref<1x1x64xf32, #tpu.memory_space<vmem_shared>>
          %dma_start3A_790 = tpu.memref_squeeze %dma_start3A_789 : memref<1x1x64xf32, #tpu.memory_space<vmem_shared>> -> memref<64xf32, #tpu.memory_space<vmem_shared>>
          %dma_start3A_791 = arith.constant 0 : i32
          %dma_start3A_792 = tpu.memref_slice %arg21[%select_n3A_788, %arg1, %dma_start3A_791] : memref<2x8x64xf32, #tpu.memory_space<vmem_shared>> -> memref<1x1x64xf32, #tpu.memory_space<vmem_shared>>
          %dma_start3A_793 = tpu.memref_squeeze %dma_start3A_792 : memref<1x1x64xf32, #tpu.memory_space<vmem_shared>> -> memref<64xf32, #tpu.memory_space<vmem_shared>>
          tpu.enqueue_dma source(%arg18 : memref<64xf32, #tpu.memory_space<vmem>>) target(%dma_start3A_793 : memref<64xf32, #tpu.memory_space<vmem_shared>>) target_semaphore(%run_scoped3A : memref<!tpu.dma_semaphore, #tpu.memory_space<semaphore_mem>>)
          %dma_wait3A = arith.constant 0 : i32
          %dma_wait3A_794 = tpu.memref_slice %arg21[%select_n3A_788, %arg1, %dma_wait3A] : memref<2x8x64xf32, #tpu.memory_space<vmem_shared>> -> memref<1x1x64xf32, #tpu.memory_space<vmem_shared>>
          %dma_wait3A_795 = tpu.memref_squeeze %dma_wait3A_794 : memref<1x1x64xf32, #tpu.memory_space<vmem_shared>> -> memref<64xf32, #tpu.memory_space<vmem_shared>>
          %dma_wait3A_796 = arith.constant 0 : i32
          %dma_wait3A_797 = tpu.memref_slice %arg21[%select_n3A_788, %arg1, %dma_wait3A_796] : memref<2x8x64xf32, #tpu.memory_space<vmem_shared>> -> memref<1x1x64xf32, #tpu.memory_space<vmem_shared>>
          %dma_wait3A_798 = tpu.memref_squeeze %dma_wait3A_797 : memref<1x1x64xf32, #tpu.memory_space<vmem_shared>> -> memref<64xf32, #tpu.memory_space<vmem_shared>>
          tpu.wait_dma2 semaphore(%run_scoped3A : memref<!tpu.dma_semaphore, #tpu.memory_space<semaphore_mem>>) src(%arg18 : memref<64xf32, #tpu.memory_space<vmem>>) dst(%dma_wait3A_798 : memref<64xf32, #tpu.memory_space<vmem_shared>>)
          tpu.yield
        }) : () -> ()
      } else {
      }
      %barrier3A = arith.constant 0 : index
      tpu.barrier barrier_id(%barrier3A)
      %convert_element_type3A_36 = arith.extui %lt3A_1 : i1 to i32
      %cond3A_37 = arith.constant 0 : i32
      %cond3A_38 = arith.cmpi ne, %convert_element_type3A_36, %cond3A_37 : i32
      scf.if %cond3A_38 {
        %jit3A = arith.constant 2 : i32
        %eq3A_40 = arith.constant 0 : i32
        %eq3A_41 = arith.cmpi eq, %jit3A, %eq3A_40 : i32
        %jit3A_42 = arith.constant 1 : i32
        %select_n3A = arith.select %eq3A_41, %jit3A_42, %jit3A : i32
        %rem3A = arith.remsi %scan3A_31, %select_n3A : i32
        %ne3A = arith.constant 0 : i32
        %ne3A_43 = arith.cmpi ne, %rem3A, %ne3A : i32
        %lt3A_44 = arith.constant 0 : i32
        %lt3A_45 = arith.cmpi slt, %rem3A, %lt3A_44 : i32
        %lt3A_46 = arith.constant 0 : i32
        %lt3A_47 = arith.cmpi slt, %select_n3A, %lt3A_46 : i32
        %ne3A_48 = arith.xori %lt3A_45, %lt3A_47 : i1
        %and3A_49 = arith.andi %ne3A_48, %ne3A_43 : i1
        %add3A_50 = arith.addi %rem3A, %select_n3A : i32
        %select_n3A_51 = arith.select %and3A_49, %add3A_50, %rem3A : i32
        "tpu.region"() ({
          %run_scoped3A = tpu.sem_alloc : memref<!tpu.dma_semaphore, #tpu.memory_space<semaphore_mem>>
          %dma_start3A = arith.constant 0 : i32
          %dma_start3A_254 = arith.constant 0 : i32
          %dma_start3A_255 = tpu.memref_slice %arg21[%select_n3A_51, %dma_start3A, %dma_start3A_254] : memref<2x8x64xf32, #tpu.memory_space<vmem_shared>> -> memref<1x8x64xf32, #tpu.memory_space<vmem_shared>>
          %dma_start3A_256 = tpu.memref_squeeze %dma_start3A_255 : memref<1x8x64xf32, #tpu.memory_space<vmem_shared>> -> memref<8x64xf32, #tpu.memory_space<vmem_shared>>
          %dma_start3A_257 = arith.constant 0 : i32
          %dma_start3A_258 = arith.constant 0 : i32
          %dma_start3A_259 = tpu.memref_slice %arg21[%select_n3A_51, %dma_start3A_257, %dma_start3A_258] : memref<2x8x64xf32, #tpu.memory_space<vmem_shared>> -> memref<1x8x64xf32, #tpu.memory_space<vmem_shared>>
          %dma_start3A_260 = tpu.memref_squeeze %dma_start3A_259 : memref<1x8x64xf32, #tpu.memory_space<vmem_shared>> -> memref<8x64xf32, #tpu.memory_space<vmem_shared>>
          tpu.enqueue_dma source(%dma_start3A_260 : memref<8x64xf32, #tpu.memory_space<vmem_shared>>) target(%arg19 : memref<8x64xf32, #tpu.memory_space<vmem>>) target_semaphore(%run_scoped3A : memref<!tpu.dma_semaphore, #tpu.memory_space<semaphore_mem>>)
          %dma_wait3A = arith.constant 0 : i32
          %dma_wait3A_261 = arith.constant 0 : i32
          %dma_wait3A_262 = tpu.memref_slice %arg21[%select_n3A_51, %dma_wait3A, %dma_wait3A_261] : memref<2x8x64xf32, #tpu.memory_space<vmem_shared>> -> memref<1x8x64xf32, #tpu.memory_space<vmem_shared>>
          %dma_wait3A_263 = tpu.memref_squeeze %dma_wait3A_262 : memref<1x8x64xf32, #tpu.memory_space<vmem_shared>> -> memref<8x64xf32, #tpu.memory_space<vmem_shared>>
          %dma_wait3A_264 = arith.constant 0 : i32
          %dma_wait3A_265 = arith.constant 0 : i32
          %dma_wait3A_266 = tpu.memref_slice %arg21[%select_n3A_51, %dma_wait3A_264, %dma_wait3A_265] : memref<2x8x64xf32, #tpu.memory_space<vmem_shared>> -> memref<1x8x64xf32, #tpu.memory_space<vmem_shared>>
          %dma_wait3A_267 = tpu.memref_squeeze %dma_wait3A_266 : memref<1x8x64xf32, #tpu.memory_space<vmem_shared>> -> memref<8x64xf32, #tpu.memory_space<vmem_shared>>
          tpu.wait_dma2 semaphore(%run_scoped3A : memref<!tpu.dma_semaphore, #tpu.memory_space<semaphore_mem>>) src(%dma_wait3A_267 : memref<8x64xf32, #tpu.memory_space<vmem_shared>>) dst(%arg19 : memref<8x64xf32, #tpu.memory_space<vmem>>)
          tpu.yield
        }) : () -> ()
        %get3A = arith.constant 0 : i32
        %get3A_52 = arith.index_cast %get3A : i32 to index
        %get3A_53 = arith.constant 0 : index
        %get3A_54 = tpu.vector_load %arg19[%get3A_52, %get3A_53] {strides = array<i32>} : memref<8x64xf32, #tpu.memory_space<vmem>>, vector<1x16xf32>,
        %get3A_55 = vector.shape_cast %get3A_54 : vector<1x16xf32> to vector<16xf32>
        %get3A_56 = arith.constant 1 : i32
        %get3A_57 = arith.index_cast %get3A_56 : i32 to index
        %get3A_58 = arith.constant 0 : index
        %get3A_59 = tpu.vector_load %arg19[%get3A_57, %get3A_58] {strides = array<i32>} : memref<8x64xf32, #tpu.memory_space<vmem>>, vector<1x16xf32>,
        %get3A_60 = vector.shape_cast %get3A_59 : vector<1x16xf32> to vector<16xf32>
        %add3A_61 = arith.addf %get3A_55, %get3A_60 : vector<16xf32>
        %get3A_62 = arith.constant 2 : i32
        %get3A_63 = arith.index_cast %get3A_62 : i32 to index
        %get3A_64 = arith.constant 0 : index
        %get3A_65 = tpu.vector_load %arg19[%get3A_63, %get3A_64] {strides = array<i32>} : memref<8x64xf32, #tpu.memory_space<vmem>>, vector<1x16xf32>,
        %get3A_66 = vector.shape_cast %get3A_65 : vector<1x16xf32> to vector<16xf32>
        %add3A_67 = arith.addf %add3A_61, %get3A_66 : vector<16xf32>
        %get3A_68 = arith.constant 3 : i32
        %get3A_69 = arith.index_cast %get3A_68 : i32 to index
        %get3A_70 = arith.constant 0 : index
        %get3A_71 = tpu.vector_load %arg19[%get3A_69, %get3A_70] {strides = array<i32>} : memref<8x64xf32, #tpu.memory_space<vmem>>, vector<1x16xf32>,
        %get3A_72 = vector.shape_cast %get3A_71 : vector<1x16xf32> to vector<16xf32>
        %add3A_73 = arith.addf %add3A_67, %get3A_72 : vector<16xf32>
        %get3A_74 = arith.constant 4 : i32
        %get3A_75 = arith.index_cast %get3A_74 : i32 to index
        %get3A_76 = arith.constant 0 : index
        %get3A_77 = tpu.vector_load %arg19[%get3A_75, %get3A_76] {strides = array<i32>} : memref<8x64xf32, #tpu.memory_space<vmem>>, vector<1x16xf32>,
        %get3A_78 = vector.shape_cast %get3A_77 : vector<1x16xf32> to vector<16xf32>
        %add3A_79 = arith.addf %add3A_73, %get3A_78 : vector<16xf32>
        %get3A_80 = arith.constant 5 : i32
        %get3A_81 = arith.index_cast %get3A_80 : i32 to index
        %get3A_82 = arith.constant 0 : index
        %get3A_83 = tpu.vector_load %arg19[%get3A_81, %get3A_82] {strides = array<i32>} : memref<8x64xf32, #tpu.memory_space<vmem>>, vector<1x16xf32>,
        %get3A_84 = vector.shape_cast %get3A_83 : vector<1x16xf32> to vector<16xf32>
        %add3A_85 = arith.addf %add3A_79, %get3A_84 : vector<16xf32>
        %get3A_86 = arith.constant 6 : i32
        %get3A_87 = arith.index_cast %get3A_86 : i32 to index
        %get3A_88 = arith.constant 0 : index
        %get3A_89 = tpu.vector_load %arg19[%get3A_87, %get3A_88] {strides = array<i32>} : memref<8x64xf32, #tpu.memory_space<vmem>>, vector<1x16xf32>,
        %get3A_90 = vector.shape_cast %get3A_89 : vector<1x16xf32> to vector<16xf32>
        %add3A_91 = arith.addf %add3A_85, %get3A_90 : vector<16xf32>
        %get3A_92 = arith.constant 7 : i32
        %get3A_93 = arith.index_cast %get3A_92 : i32 to index
        %get3A_94 = arith.constant 0 : index
        %get3A_95 = tpu.vector_load %arg19[%get3A_93, %get3A_94] {strides = array<i32>} : memref<8x64xf32, #tpu.memory_space<vmem>>, vector<1x16xf32>,
        %get3A_96 = vector.shape_cast %get3A_95 : vector<1x16xf32> to vector<16xf32>
        %add3A_97 = arith.addf %add3A_91, %get3A_96 : vector<16xf32>
        %swap3A = arith.constant 0 : index
        %swap3A_98 = tpu.vector_load %arg16[%swap3A] {strides = array<i32>} : memref<64xf32, #tpu.memory_space<vmem>>, vector<16xf32>,
        %swap3A_99 = vector.shape_cast %swap3A_98 : vector<16xf32> to vector<16xf32>
        %swap3A_100 = vector.shape_cast %add3A_97 : vector<16xf32> to vector<16xf32>
        tpu.vector_store %arg16[%swap3A], %swap3A_100 {strides = array<i32>} : memref<64xf32, #tpu.memory_space<vmem>>, vector<16xf32>,
        %get3A_101 = arith.constant 0 : i32
        %get3A_102 = arith.index_cast %get3A_101 : i32 to index
        %get3A_103 = arith.constant 16 : index
        %get3A_104 = tpu.vector_load %arg19[%get3A_102, %get3A_103] {strides = array<i32>} : memref<8x64xf32, #tpu.memory_space<vmem>>, vector<1x16xf32>,
        %get3A_105 = vector.shape_cast %get3A_104 : vector<1x16xf32> to vector<16xf32>
        %get3A_106 = arith.constant 1 : i32
        %get3A_107 = arith.index_cast %get3A_106 : i32 to index
        %get3A_108 = arith.constant 16 : index
        %get3A_109 = tpu.vector_load %arg19[%get3A_107, %get3A_108] {strides = array<i32>} : memref<8x64xf32, #tpu.memory_space<vmem>>, vector<1x16xf32>,
        %get3A_110 = vector.shape_cast %get3A_109 : vector<1x16xf32> to vector<16xf32>
        %add3A_111 = arith.addf %get3A_105, %get3A_110 : vector<16xf32>
        %get3A_112 = arith.constant 2 : i32
        %get3A_113 = arith.index_cast %get3A_112 : i32 to index
        %get3A_114 = arith.constant 16 : index
        %get3A_115 = tpu.vector_load %arg19[%get3A_113, %get3A_114] {strides = array<i32>} : memref<8x64xf32, #tpu.memory_space<vmem>>, vector<1x16xf32>,
        %get3A_116 = vector.shape_cast %get3A_115 : vector<1x16xf32> to vector<16xf32>
        %add3A_117 = arith.addf %add3A_111, %get3A_116 : vector<16xf32>
        %get3A_118 = arith.constant 3 : i32
        %get3A_119 = arith.index_cast %get3A_118 : i32 to index
        %get3A_120 = arith.constant 16 : index
        %get3A_121 = tpu.vector_load %arg19[%get3A_119, %get3A_120] {strides = array<i32>} : memref<8x64xf32, #tpu.memory_space<vmem>>, vector<1x16xf32>,
        %get3A_122 = vector.shape_cast %get3A_121 : vector<1x16xf32> to vector<16xf32>
        %add3A_123 = arith.addf %add3A_117, %get3A_122 : vector<16xf32>
        %get3A_124 = arith.constant 4 : i32
        %get3A_125 = arith.index_cast %get3A_124 : i32 to index
        %get3A_126 = arith.constant 16 : index
        %get3A_127 = tpu.vector_load %arg19[%get3A_125, %get3A_126] {strides = array<i32>} : memref<8x64xf32, #tpu.memory_space<vmem>>, vector<1x16xf32>,
        %get3A_128 = vector.shape_cast %get3A_127 : vector<1x16xf32> to vector<16xf32>
        %add3A_129 = arith.addf %add3A_123, %get3A_128 : vector<16xf32>
        %get3A_130 = arith.constant 5 : i32
        %get3A_131 = arith.index_cast %get3A_130 : i32 to index
        %get3A_132 = arith.constant 16 : index
        %get3A_133 = tpu.vector_load %arg19[%get3A_131, %get3A_132] {strides = array<i32>} : memref<8x64xf32, #tpu.memory_space<vmem>>, vector<1x16xf32>,
        %get3A_134 = vector.shape_cast %get3A_133 : vector<1x16xf32> to vector<16xf32>
        %add3A_135 = arith.addf %add3A_129, %get3A_134 : vector<16xf32>
        %get3A_136 = arith.constant 6 : i32
        %get3A_137 = arith.index_cast %get3A_136 : i32 to index
        %get3A_138 = arith.constant 16 : index
        %get3A_139 = tpu.vector_load %arg19[%get3A_137, %get3A_138] {strides = array<i32>} : memref<8x64xf32, #tpu.memory_space<vmem>>, vector<1x16xf32>,
        %get3A_140 = vector.shape_cast %get3A_139 : vector<1x16xf32> to vector<16xf32>
        %add3A_141 = arith.addf %add3A_135, %get3A_140 : vector<16xf32>
        %get3A_142 = arith.constant 7 : i32
        %get3A_143 = arith.index_cast %get3A_142 : i32 to index
        %get3A_144 = arith.constant 16 : index
        %get3A_145 = tpu.vector_load %arg19[%get3A_143, %get3A_144] {strides = array<i32>} : memref<8x64xf32, #tpu.memory_space<vmem>>, vector<1x16xf32>,
        %get3A_146 = vector.shape_cast %get3A_145 : vector<1x16xf32> to vector<16xf32>
        %add3A_147 = arith.addf %add3A_141, %get3A_146 : vector<16xf32>
        %swap3A_148 = arith.constant 16 : index
        %swap3A_149 = tpu.vector_load %arg16[%swap3A_148] {strides = array<i32>} : memref<64xf32, #tpu.memory_space<vmem>>, vector<16xf32>,
        %swap3A_150 = vector.shape_cast %swap3A_149 : vector<16xf32> to vector<16xf32>
        %swap3A_151 = vector.shape_cast %add3A_147 : vector<16xf32> to vector<16xf32>
        tpu.vector_store %arg16[%swap3A_148], %swap3A_151 {strides = array<i32>} : memref<64xf32, #tpu.memory_space<vmem>>, vector<16xf32>,
        %get3A_152 = arith.constant 0 : i32
        %get3A_153 = arith.index_cast %get3A_152 : i32 to index
        %get3A_154 = arith.constant 32 : index
        %get3A_155 = tpu.vector_load %arg19[%get3A_153, %get3A_154] {strides = array<i32>} : memref<8x64xf32, #tpu.memory_space<vmem>>, vector<1x16xf32>,
        %get3A_156 = vector.shape_cast %get3A_155 : vector<1x16xf32> to vector<16xf32>
        %get3A_157 = arith.constant 1 : i32
        %get3A_158 = arith.index_cast %get3A_157 : i32 to index
        %get3A_159 = arith.constant 32 : index
        %get3A_160 = tpu.vector_load %arg19[%get3A_158, %get3A_159] {strides = array<i32>} : memref<8x64xf32, #tpu.memory_space<vmem>>, vector<1x16xf32>,
        %get3A_161 = vector.shape_cast %get3A_160 : vector<1x16xf32> to vector<16xf32>
        %add3A_162 = arith.addf %get3A_156, %get3A_161 : vector<16xf32>
        %get3A_163 = arith.constant 2 : i32
        %get3A_164 = arith.index_cast %get3A_163 : i32 to index
        %get3A_165 = arith.constant 32 : index
        %get3A_166 = tpu.vector_load %arg19[%get3A_164, %get3A_165] {strides = array<i32>} : memref<8x64xf32, #tpu.memory_space<vmem>>, vector<1x16xf32>,
        %get3A_167 = vector.shape_cast %get3A_166 : vector<1x16xf32> to vector<16xf32>
        %add3A_168 = arith.addf %add3A_162, %get3A_167 : vector<16xf32>
        %get3A_169 = arith.constant 3 : i32
        %get3A_170 = arith.index_cast %get3A_169 : i32 to index
        %get3A_171 = arith.constant 32 : index
        %get3A_172 = tpu.vector_load %arg19[%get3A_170, %get3A_171] {strides = array<i32>} : memref<8x64xf32, #tpu.memory_space<vmem>>, vector<1x16xf32>,
        %get3A_173 = vector.shape_cast %get3A_172 : vector<1x16xf32> to vector<16xf32>
        %add3A_174 = arith.addf %add3A_168, %get3A_173 : vector<16xf32>
        %get3A_175 = arith.constant 4 : i32
        %get3A_176 = arith.index_cast %get3A_175 : i32 to index
        %get3A_177 = arith.constant 32 : index
        %get3A_178 = tpu.vector_load %arg19[%get3A_176, %get3A_177] {strides = array<i32>} : memref<8x64xf32, #tpu.memory_space<vmem>>, vector<1x16xf32>,
        %get3A_179 = vector.shape_cast %get3A_178 : vector<1x16xf32> to vector<16xf32>
        %add3A_180 = arith.addf %add3A_174, %get3A_179 : vector<16xf32>
        %get3A_181 = arith.constant 5 : i32
        %get3A_182 = arith.index_cast %get3A_181 : i32 to index
        %get3A_183 = arith.constant 32 : index
        %get3A_184 = tpu.vector_load %arg19[%get3A_182, %get3A_183] {strides = array<i32>} : memref<8x64xf32, #tpu.memory_space<vmem>>, vector<1x16xf32>,
        %get3A_185 = vector.shape_cast %get3A_184 : vector<1x16xf32> to vector<16xf32>
        %add3A_186 = arith.addf %add3A_180, %get3A_185 : vector<16xf32>
        %get3A_187 = arith.constant 6 : i32
        %get3A_188 = arith.index_cast %get3A_187 : i32 to index
        %get3A_189 = arith.constant 32 : index
        %get3A_190 = tpu.vector_load %arg19[%get3A_188, %get3A_189] {strides = array<i32>} : memref<8x64xf32, #tpu.memory_space<vmem>>, vector<1x16xf32>,
        %get3A_191 = vector.shape_cast %get3A_190 : vector<1x16xf32> to vector<16xf32>
        %add3A_192 = arith.addf %add3A_186, %get3A_191 : vector<16xf32>
        %get3A_193 = arith.constant 7 : i32
        %get3A_194 = arith.index_cast %get3A_193 : i32 to index
        %get3A_195 = arith.constant 32 : index
        %get3A_196 = tpu.vector_load %arg19[%get3A_194, %get3A_195] {strides = array<i32>} : memref<8x64xf32, #tpu.memory_space<vmem>>, vector<1x16xf32>,
        %get3A_197 = vector.shape_cast %get3A_196 : vector<1x16xf32> to vector<16xf32>
        %add3A_198 = arith.addf %add3A_192, %get3A_197 : vector<16xf32>
        %swap3A_199 = arith.constant 32 : index
        %swap3A_200 = tpu.vector_load %arg16[%swap3A_199] {strides = array<i32>} : memref<64xf32, #tpu.memory_space<vmem>>, vector<16xf32>,
        %swap3A_201 = vector.shape_cast %swap3A_200 : vector<16xf32> to vector<16xf32>
        %swap3A_202 = vector.shape_cast %add3A_198 : vector<16xf32> to vector<16xf32>
        tpu.vector_store %arg16[%swap3A_199], %swap3A_202 {strides = array<i32>} : memref<64xf32, #tpu.memory_space<vmem>>, vector<16xf32>,
        %get3A_203 = arith.constant 0 : i32
        %get3A_204 = arith.index_cast %get3A_203 : i32 to index
        %get3A_205 = arith.constant 48 : index
        %get3A_206 = tpu.vector_load %arg19[%get3A_204, %get3A_205] {strides = array<i32>} : memref<8x64xf32, #tpu.memory_space<vmem>>, vector<1x16xf32>,
        %get3A_207 = vector.shape_cast %get3A_206 : vector<1x16xf32> to vector<16xf32>
        %get3A_208 = arith.constant 1 : i32
        %get3A_209 = arith.index_cast %get3A_208 : i32 to index
        %get3A_210 = arith.constant 48 : index
        %get3A_211 = tpu.vector_load %arg19[%get3A_209, %get3A_210] {strides = array<i32>} : memref<8x64xf32, #tpu.memory_space<vmem>>, vector<1x16xf32>,
        %get3A_212 = vector.shape_cast %get3A_211 : vector<1x16xf32> to vector<16xf32>
        %add3A_213 = arith.addf %get3A_207, %get3A_212 : vector<16xf32>
        %get3A_214 = arith.constant 2 : i32
        %get3A_215 = arith.index_cast %get3A_214 : i32 to index
        %get3A_216 = arith.constant 48 : index
        %get3A_217 = tpu.vector_load %arg19[%get3A_215, %get3A_216] {strides = array<i32>} : memref<8x64xf32, #tpu.memory_space<vmem>>, vector<1x16xf32>,
        %get3A_218 = vector.shape_cast %get3A_217 : vector<1x16xf32> to vector<16xf32>
        %add3A_219 = arith.addf %add3A_213, %get3A_218 : vector<16xf32>
        %get3A_220 = arith.constant 3 : i32
        %get3A_221 = arith.index_cast %get3A_220 : i32 to index
        %get3A_222 = arith.constant 48 : index
        %get3A_223 = tpu.vector_load %arg19[%get3A_221, %get3A_222] {strides = array<i32>} : memref<8x64xf32, #tpu.memory_space<vmem>>, vector<1x16xf32>,
        %get3A_224 = vector.shape_cast %get3A_223 : vector<1x16xf32> to vector<16xf32>
        %add3A_225 = arith.addf %add3A_219, %get3A_224 : vector<16xf32>
        %get3A_226 = arith.constant 4 : i32
        %get3A_227 = arith.index_cast %get3A_226 : i32 to index
        %get3A_228 = arith.constant 48 : index
        %get3A_229 = tpu.vector_load %arg19[%get3A_227, %get3A_228] {strides = array<i32>} : memref<8x64xf32, #tpu.memory_space<vmem>>, vector<1x16xf32>,
        %get3A_230 = vector.shape_cast %get3A_229 : vector<1x16xf32> to vector<16xf32>
        %add3A_231 = arith.addf %add3A_225, %get3A_230 : vector<16xf32>
        %get3A_232 = arith.constant 5 : i32
        %get3A_233 = arith.index_cast %get3A_232 : i32 to index
        %get3A_234 = arith.constant 48 : index
        %get3A_235 = tpu.vector_load %arg19[%get3A_233, %get3A_234] {strides = array<i32>} : memref<8x64xf32, #tpu.memory_space<vmem>>, vector<1x16xf32>,
        %get3A_236 = vector.shape_cast %get3A_235 : vector<1x16xf32> to vector<16xf32>
        %add3A_237 = arith.addf %add3A_231, %get3A_236 : vector<16xf32>
        %get3A_238 = arith.constant 6 : i32
        %get3A_239 = arith.index_cast %get3A_238 : i32 to index
        %get3A_240 = arith.constant 48 : index
        %get3A_241 = tpu.vector_load %arg19[%get3A_239, %get3A_240] {strides = array<i32>} : memref<8x64xf32, #tpu.memory_space<vmem>>, vector<1x16xf32>,
        %get3A_242 = vector.shape_cast %get3A_241 : vector<1x16xf32> to vector<16xf32>
        %add3A_243 = arith.addf %add3A_237, %get3A_242 : vector<16xf32>
        %get3A_244 = arith.constant 7 : i32
        %get3A_245 = arith.index_cast %get3A_244 : i32 to index
        %get3A_246 = arith.constant 48 : index
        %get3A_247 = tpu.vector_load %arg19[%get3A_245, %get3A_246] {strides = array<i32>} : memref<8x64xf32, #tpu.memory_space<vmem>>, vector<1x16xf32>,
        %get3A_248 = vector.shape_cast %get3A_247 : vector<1x16xf32> to vector<16xf32>
        %add3A_249 = arith.addf %add3A_243, %get3A_248 : vector<16xf32>
        %swap3A_250 = arith.constant 48 : index
        %swap3A_251 = tpu.vector_load %arg16[%swap3A_250] {strides = array<i32>} : memref<64xf32, #tpu.memory_space<vmem>>, vector<16xf32>,
        %swap3A_252 = vector.shape_cast %swap3A_251 : vector<16xf32> to vector<16xf32>
        %swap3A_253 = vector.shape_cast %add3A_249 : vector<16xf32> to vector<16xf32>
        tpu.vector_store %arg16[%swap3A_250], %swap3A_253 {strides = array<i32>} : memref<64xf32, #tpu.memory_space<vmem>>, vector<16xf32>,
      } else {
      }
      %add3A_39 = arith.addi %scan3A_31, %sub3A_14 : i32
      scf.yield %add3A_39 : i32
    }
    %scan3A_22 = arith.constant 255 : i32
    %eq3A_23 = arith.constant 1 : i32
    %eq3A_24 = arith.cmpi eq, %arg0, %eq3A_23 : i32
    %eq3A_25 = arith.constant 0 : i32
    %eq3A_26 = arith.cmpi eq, %arg1, %eq3A_25 : i32
    %and3A_27 = arith.andi %eq3A_24, %eq3A_26 : i1
    %convert_element_type3A_28 = arith.extui %and3A_27 : i1 to i32
    %cond3A_29 = arith.constant 0 : i32
    %cond3A_30 = arith.cmpi ne, %convert_element_type3A_28, %cond3A_29 : i32
    scf.if %cond3A_30 {
      %get3A = arith.constant 0 : index
      %get3A_31 = tpu.vector_load %arg16[%get3A] {strides = array<i32>} : memref<64xf32, #tpu.memory_space<vmem>>, vector<16xf32>,
      %get3A_32 = vector.shape_cast %get3A_31 : vector<16xf32> to vector<16xf32>
      %swap3A = arith.constant 0 : index
      %swap3A_33 = tpu.vector_load %arg20[%swap3A] {strides = array<i32>} : memref<64xf32, #tpu.memory_space<vmem>>, vector<16xf32>,
      %swap3A_34 = vector.shape_cast %swap3A_33 : vector<16xf32> to vector<16xf32>
      %swap3A_35 = vector.shape_cast %get3A_32 : vector<16xf32> to vector<16xf32>
      tpu.vector_store %arg20[%swap3A], %swap3A_35 {strides = array<i32>} : memref<64xf32, #tpu.memory_space<vmem>>, vector<16xf32>,
      %get3A_36 = arith.constant 16 : index
      %get3A_37 = tpu.vector_load %arg16[%get3A_36] {strides = array<i32>} : memref<64xf32, #tpu.memory_space<vmem>>, vector<16xf32>,
      %get3A_38 = vector.shape_cast %get3A_37 : vector<16xf32> to vector<16xf32>
      %swap3A_39 = arith.constant 16 : index
      %swap3A_40 = tpu.vector_load %arg20[%swap3A_39] {strides = array<i32>} : memref<64xf32, #tpu.memory_space<vmem>>, vector<16xf32>,
      %swap3A_41 = vector.shape_cast %swap3A_40 : vector<16xf32> to vector<16xf32>
      %swap3A_42 = vector.shape_cast %get3A_38 : vector<16xf32> to vector<16xf32>
      tpu.vector_store %arg20[%swap3A_39], %swap3A_42 {strides = array<i32>} : memref<64xf32, #tpu.memory_space<vmem>>, vector<16xf32>,
      %get3A_43 = arith.constant 32 : index
      %get3A_44 = tpu.vector_load %arg16[%get3A_43] {strides = array<i32>} : memref<64xf32, #tpu.memory_space<vmem>>, vector<16xf32>,
      %get3A_45 = vector.shape_cast %get3A_44 : vector<16xf32> to vector<16xf32>
      %swap3A_46 = arith.constant 32 : index
      %swap3A_47 = tpu.vector_load %arg20[%swap3A_46] {strides = array<i32>} : memref<64xf32, #tpu.memory_space<vmem>>, vector<16xf32>,
      %swap3A_48 = vector.shape_cast %swap3A_47 : vector<16xf32> to vector<16xf32>
      %swap3A_49 = vector.shape_cast %get3A_45 : vector<16xf32> to vector<16xf32>
      tpu.vector_store %arg20[%swap3A_46], %swap3A_49 {strides = array<i32>} : memref<64xf32, #tpu.memory_space<vmem>>, vector<16xf32>,
      %get3A_50 = arith.constant 48 : index
      %get3A_51 = tpu.vector_load %arg16[%get3A_50] {strides = array<i32>} : memref<64xf32, #tpu.memory_space<vmem>>, vector<16xf32>,
      %get3A_52 = vector.shape_cast %get3A_51 : vector<16xf32> to vector<16xf32>
      %swap3A_53 = arith.constant 48 : index
      %swap3A_54 = tpu.vector_load %arg20[%swap3A_53] {strides = array<i32>} : memref<64xf32, #tpu.memory_space<vmem>>, vector<16xf32>,
      %swap3A_55 = vector.shape_cast %swap3A_54 : vector<16xf32> to vector<16xf32>
      %swap3A_56 = vector.shape_cast %get3A_52 : vector<16xf32> to vector<16xf32>
      tpu.vector_store %arg20[%swap3A_53], %swap3A_56 {strides = array<i32>} : memref<64xf32, #tpu.memory_space<vmem>>, vector<16xf32>,
      %ne3A = arith.constant 0 : i32
      %ne3A_57 = arith.cmpi ne, %scan3A_21, %ne3A : i32
      %convert_element_type3A_58 = arith.extui %ne3A_57 : i1 to i32
      %cond3A_59 = arith.constant 0 : i32
      %cond3A_60 = arith.cmpi ne, %convert_element_type3A_58, %cond3A_59 : i32
      scf.if %cond3A_60 {
        %broadcast_in_dim3A = arith.constant 0.000000e+00 : f32
        %broadcast_in_dim3A_61 = vector.broadcast %broadcast_in_dim3A : f32 to vector<16xf32>
        %swap3A_62 = arith.constant 0 : index
        %swap3A_63 = tpu.vector_load %arg20[%swap3A_62] {strides = array<i32>} : memref<64xf32, #tpu.memory_space<vmem>>, vector<16xf32>,
        %swap3A_64 = vector.shape_cast %swap3A_63 : vector<16xf32> to vector<16xf32>
        %swap3A_65 = vector.shape_cast %broadcast_in_dim3A_61 : vector<16xf32> to vector<16xf32>
        tpu.vector_store %arg20[%swap3A_62], %swap3A_65 {strides = array<i32>} : memref<64xf32, #tpu.memory_space<vmem>>, vector<16xf32>,
        %broadcast_in_dim3A_66 = arith.constant 0.000000e+00 : f32
        %broadcast_in_dim3A_67 = vector.broadcast %broadcast_in_dim3A_66 : f32 to vector<16xf32>
        %swap3A_68 = arith.constant 16 : index
        %swap3A_69 = tpu.vector_load %arg20[%swap3A_68] {strides = array<i32>} : memref<64xf32, #tpu.memory_space<vmem>>, vector<16xf32>,
        %swap3A_70 = vector.shape_cast %swap3A_69 : vector<16xf32> to vector<16xf32>
        %swap3A_71 = vector.shape_cast %broadcast_in_dim3A_67 : vector<16xf32> to vector<16xf32>
        tpu.vector_store %arg20[%swap3A_68], %swap3A_71 {strides = array<i32>} : memref<64xf32, #tpu.memory_space<vmem>>, vector<16xf32>,
        %broadcast_in_dim3A_72 = arith.constant 0.000000e+00 : f32
        %broadcast_in_dim3A_73 = vector.broadcast %broadcast_in_dim3A_72 : f32 to vector<16xf32>
        %swap3A_74 = arith.constant 32 : index
        %swap3A_75 = tpu.vector_load %arg20[%swap3A_74] {strides = array<i32>} : memref<64xf32, #tpu.memory_space<vmem>>, vector<16xf32>,
        %swap3A_76 = vector.shape_cast %swap3A_75 : vector<16xf32> to vector<16xf32>
        %swap3A_77 = vector.shape_cast %broadcast_in_dim3A_73 : vector<16xf32> to vector<16xf32>
        tpu.vector_store %arg20[%swap3A_74], %swap3A_77 {strides = array<i32>} : memref<64xf32, #tpu.memory_space<vmem>>, vector<16xf32>,
        %broadcast_in_dim3A_78 = arith.constant 0.000000e+00 : f32
        %broadcast_in_dim3A_79 = vector.broadcast %broadcast_in_dim3A_78 : f32 to vector<16xf32>
        %swap3A_80 = arith.constant 48 : index
        %swap3A_81 = tpu.vector_load %arg20[%swap3A_80] {strides = array<i32>} : memref<64xf32, #tpu.memory_space<vmem>>, vector<16xf32>,
        %swap3A_82 = vector.shape_cast %swap3A_81 : vector<16xf32> to vector<16xf32>
        %swap3A_83 = vector.shape_cast %broadcast_in_dim3A_79 : vector<16xf32> to vector<16xf32>
        tpu.vector_store %arg20[%swap3A_80], %swap3A_83 {strides = array<i32>} : memref<64xf32, #tpu.memory_space<vmem>>, vector<16xf32>,
      } else {
      }
      "tpu.region"() ({
        %run_scoped3A = tpu.sem_alloc : memref<!tpu.dma_semaphore, #tpu.memory_space<semaphore_mem>>
        tpu.enqueue_dma source(%arg20 : memref<64xf32, #tpu.memory_space<vmem>>) target(%arg11 : memref<64xf32, #tpu.memory_space<hbm>>) target_semaphore(%run_scoped3A : memref<!tpu.dma_semaphore, #tpu.memory_space<semaphore_mem>>)
        tpu.wait_dma2 semaphore(%run_scoped3A : memref<!tpu.dma_semaphore, #tpu.memory_space<semaphore_mem>>) src(%arg20 : memref<64xf32, #tpu.memory_space<vmem>>) dst(%arg11 : memref<64xf32, #tpu.memory_space<hbm>>)
        tpu.yield
      }) : () -> ()
    } else {
    }
    return
  }
}

</mosaic_0001>

<sc_bundles>
// kernel: kernel.3.cloned.1.call-start
scs
__scs_entry_jumppad:
0x0: {  	(pc) =	sbr.rel $0x88, $3  }
0x1: {  	(tag) =	ssettag $0x0;
	lr =	simm.s32 $0x1  }
0x2: {  	[smem:$0x3F98] =	sst lr;
	_ =	strace $0xD0000000  }
0x3: {  	_ = 	snop  }
0x4: {  	_ = 	snop  }
0x5: {  	_ = 	snop  }
0x6: {  	_ = 	snop  }
0x7: {  	_ = 	snop  }
__scs_overlays_trampoline_lowered:
0x8: {  	[smem:$0x3FA7] =	sst s0  }
0x9: {  	[smem:$0x3FA8] =	sst s1  }
0xa: {  	[smem:$0x3FA9] =	sst s2  }
0xb: {  	[smem:$0x3FAA] =	sst s3  }
0xc: {  	[smem:$0x3FAB] =	sst s4  }
0xd: {  	[smem:$0x3FAC] =	sst s5  }
0xe: {  	[smem:$0x3FAD] =	sst s6  }
0xf: {  	[smem:$0x3FAE] =	sst s7  }
0x10: {  	[smem:$0x3FAF] =	sst s8  }
0x11: {  	[smem:$0x3FB0] =	sst s9;
	s0 =	simm.s32 @!p0 $0x0  }
0x12: {  	s1 =	sld [smem:$0x3F96];
	s0 =	simm.s32 @p0 $0x1  }
0x13: {  	[smem:$0x3FB1] =	sst s0;
	s0 =	simm.s32 @!p1 $0x0  }
0x14: {  	s2 =	sld [smem:$0x3F95];
	s0 =	simm.s32 @p1 $0x1  }
0x15: {  	[smem:$0x3FB2] =	sst s0;
	s0 =	simm.s32 @!p2 $0x0  }
0x16: {  	s3 =	sld [smem:$0x3FDB];
	s0 =	simm.s32 @p2 $0x1  }
0x17: {  	s4 =	simm.s32 $0x1BF5;
	[smem:$0x3FB4] =	sst s0  }
0x18: {  	s0 =	sld [smem:$0x3F97];
	_ =	swait.ge [sflag:s4], $0x0  }
0x19: {  	s7 =	sld [smem:$0x3F98]  }
0x1a: {  	s8 =	sadd.s32 $0xFFFFE003, lr  }
0x1b: {  	s9 =	sadd.s32 $0xFFFFFEF7, lr;
	s5 =	simm.s32 $0xFFFFFFFF;
	p2 =	slt.u32 s8, $0xFFFFF086  }
0x1c: {  	p1 =	slt.u32 s9, $0xF7A;
	s5 =	simm.s32 @!p2 $0x0  }
0x1d: {  	s5 =	simm.s32 @p1 $0x1;
	p0 =	seq.s32 s7, s2  }
0x1e: {  	s7 =	smul.u32 @!p0 $0xF7A, s2;
	p2 =	seq.s32 @!p0 s5, $0x0  }
0x1f: {  	s9 =	smul.u32 $0xF7A, s1;
	s8 =	simm.s32 @!p0 $0x1BF5;
	p2 =	por !p2, p0  }
0x20: {  	[sflag:s8] =	ssyncset.s32 @!p0 $0xFFFFF086;
	s6 =	sadd.s32 @!p0 s3, s7;
	s7 =	simm.s32 @!p0 $0x108  }
0x21: {  	s3 =	sadd.s32 s3, s9;
	s6 =	sadd.s32 @!p0 $0x88, s6;
	s7 =	simm.s32 @p2 $0x1082  }
0x22: {  	[simem:s7], [sflag:s8] =	dma.local @!p0 [hbm:s6], $0xF7A  }
0x23: {  	s9 =	sor.u32 $0xD0000000, s2;
	s6 =	simm.s32 $0x108;
	_ =	swait.ge @!p0 [sflag:s8], $0x0  }
0x24: {  	s3 =	sadd.s32 $0x88, s3;
	s6 =	simm.s32 @!p1 $0x1082;
	[sflag:s4] =	ssyncset.s32 $0xFFFFF086  }
0x25: {  	[simem:s6], [sflag:s4] =	dma.local [hbm:s3], $0xF7A  }
0x26: {  	[smem:$0x3F98] =	sst s1;
	(tag) =	ssettag s2;
	_ =	strace s9  }
0x27: {  	s1 =	sld [smem:$0x3FA8]  }
0x28: {  	s2 =	sld [smem:$0x3FA9]  }
0x29: {  	s4 =	sld [smem:$0x3FAB]  }
0x2a: {  	p0 =	seq.s32 s5, $0x0;
	s5 =	sld [smem:$0x3FAC]  }
0x2b: {  	s6 =	sld [smem:$0x3FAD]  }
0x2c: {  	s7 =	sld [smem:$0x3FAE]  }
0x2d: {  	s3 =	simm.s32 $0x108;
	s8 =	sld [smem:$0x3FAF]  }
0x2e: {  	s3 =	simm.s32 @!p0 $0x1082;
	s9 =	sld [smem:$0x3FB0]  }
0x2f: {  	lr =	sadd.s32 s0, s3;
	s0 =	sld [smem:$0x3FA7]  }
0x30: {  	s3 =	sld [smem:$0x3FAA]  }
0x31: {  	[smem:$0x3FB3] =	sst s10  }
0x32: {  	s10 =	sld [smem:$0x3FB1];
	_ =	sdelay $0x3  }
0x33: {  	p0 =	seq.s32 s10, $0x1;
	s10 =	sld [smem:$0x3FB3];
	_ =	sdelay $0x3  }
0x34: {  	[smem:$0x3FB3] =	sst s10  }
0x35: {  	s10 =	sld [smem:$0x3FB2];
	_ =	sdelay $0x3  }
0x36: {  	p1 =	seq.s32 s10, $0x1;
	s10 =	sld [smem:$0x3FB3];
	_ =	sdelay $0x3  }
0x37: {  	[smem:$0x3FB3] =	sst s10  }
0x38: {  	s10 =	sld [smem:$0x3FB4]  }
0x39: {  	_ = 	snop;
	(pc) =	sbr.ind lr, $3  }
0x3a: {  	_ = 	snop  }
0x3b: {  	_ = 	snop  }
0x3c: {  	p2 =	seq.s32 s10, $0x1;
	s10 =	sld [smem:$0x3FB3]  }
0x3d: {  	_ =	shalt  }
0x3e: {  	_ =	shalt  }
0x3f: {  	_ =	shalt  }
0x40: {  	_ =	shalt  }
0x41: {  	_ =	shalt  }
0x42: {  	_ =	shalt  }
0x43: {  	_ =	shalt  }
0x44: {  	_ =	shalt  }
0x45: {  	_ =	shalt  }
0x46: {  	_ =	shalt  }
0x47: {  	_ =	shalt  }
0x48: {  	_ =	shalt  }
0x49: {  	_ =	shalt  }
0x4a: {  	_ =	shalt  }
0x4b: {  	_ =	shalt  }
0x4c: {  	_ =	shalt  }
0x4d: {  	_ =	shalt  }
0x4e: {  	_ =	shalt  }
0x4f: {  	_ =	shalt  }
0x50: {  	_ =	shalt  }
0x51: {  	_ =	shalt  }
0x52: {  	_ =	shalt  }
0x53: {  	_ =	shalt  }
0x54: {  	_ =	shalt  }
0x55: {  	_ =	shalt  }
0x56: {  	_ =	shalt  }
0x57: {  	_ =	shalt  }
0x58: {  	_ =	shalt  }
0x59: {  	_ =	shalt  }
0x5a: {  	_ =	shalt  }
0x5b: {  	_ =	shalt  }
0x5c: {  	_ =	shalt  }
0x5d: {  	_ =	shalt  }
0x5e: {  	_ =	shalt  }
0x5f: {  	_ =	shalt  }
0x60: {  	_ =	shalt  }
0x61: {  	_ =	shalt  }
0x62: {  	_ =	shalt  }
0x63: {  	_ =	shalt  }
0x64: {  	_ =	shalt  }
0x65: {  	_ =	shalt  }
0x66: {  	_ =	shalt  }
0x67: {  	_ =	shalt  }
0x68: {  	_ =	shalt  }
0x69: {  	_ =	shalt  }
0x6a: {  	_ =	shalt  }
0x6b: {  	_ =	shalt  }
0x6c: {  	_ =	shalt  }
0x6d: {  	_ =	shalt  }
0x6e: {  	_ =	shalt  }
0x6f: {  	_ =	shalt  }
0x70: {  	_ =	shalt  }
0x71: {  	_ =	shalt  }
0x72: {  	_ =	shalt  }
0x73: {  	_ =	shalt  }
0x74: {  	_ =	shalt  }
0x75: {  	_ =	shalt  }
0x76: {  	_ =	shalt  }
0x77: {  	_ =	shalt  }
0x78: {  	_ =	shalt  }
0x79: {  	_ =	shalt  }
0x7a: {  	_ =	shalt  }
0x7b: {  	_ =	shalt  }
0x7c: {  	_ =	shalt  }
0x7d: {  	_ =	shalt  }
0x7e: {  	_ =	shalt  }
0x7f: {  	_ =	shalt  }
0x80: {  	_ =	shalt  }
0x81: {  	_ =	shalt  }
0x82: {  	_ =	shalt  }
0x83: {  	_ =	shalt  }
0x84: {  	_ =	shalt  }
0x85: {  	_ =	shalt  }
0x86: {  	_ =	shalt  }
0x87: {  	_ =	shalt  }
.Lfunc_end0:
.L_simem_size_0:
called_computation_lowered:
.L_overlay_start_0:
0x88: {  	s2 =	sld [smem:$0x3FD9]  }
0x89: {  	s3 =	sld [smem:$0x3FFE];
	_ =	sdelay $0x1  }
0x8a: {  	s1 =	srdreg.scid  }
0x8b: {  	s0 =	sand.u32 $0x1, s1  }
0x8c: {  	s17 =	sshll.u32 s0, $0xA;
	s2 =	sadd.s32 s3, s2  }
0x8d: {  	s2 =	sadd.s32 s2, s17  }
0x8e: {  	[smem:$0x3FBF] =	sst s2  }
0x8f: {  	_ = 	snop  }
0x90: {  	s2 =	sld [smem:$0x3FC5]  }
0x91: {  	s18 =	sld [smem:$0x3FC1]  }
0x92: {  	s4 =	sld [smem:$0x3FD0];
	(tm) =	ssettm $0x1  }
0x93: {  	s5 =	sld [smem:$0x3FFB];
	_ =	sdelay $0x3  }
0x94: {  	_ =	strace s5  }
0x95: {  	s5 =	sld [smem:$0x3FFC];
	_ =	sdelay $0x3  }
0x96: {  	_ =	strace s5  }
0x97: {  	s5 =	sld [smem:$0x3FFD];
	_ =	sdelay $0x3  }
0x98: {  	_ =	strace s5  }
0x99: {  	_ =	strace $0x8FFFFFFF  }
0x9a: {  	s19 =	sld [smem:$0x3FDB];
	_ =	sdelay $0x1  }
0x9b: {  	s6 =	simm.s32 $_scs_section_size  }
0x9c: {  	s7 =	simm.s32 $_size__tile_overlayer_lowered;
	s8 =	simm.s32 $_tile_overlayer_lowered  }
0x9d: {  	s22 =	simm.s32 $0x1BFF;
	s21 =	sshll.u32 s8, $0x1;
	s5 =	sadd.s32 s6, s19  }
0x9e: {  	s9 =	simm.s32 $0x0;
	s20 =	sshll.u32 s7, $0x1;
	s7 =	sadd.s32 s21, s5  }
0x9f: {  	[timem:s9], [sflag:s22] =	dma.local [hbm:s7], s20  }
0xa0: {  	_ =	swait.ge [sflag:s22], s20  }
0xa1: {  	s6 =	ssub.s32 $0x0, s20;
	[sflag:s22] =	ssyncset.done $0x0  }
0xa2: {  	[sflag:s22] =	ssyncadd.s32 s6;
	_ =	sdelay $0x1  }
0xa3: {  	s23 =	simm.s32 $0x1B8B  }
0xa4: {  	_ =	swait.ge [sflag:s23], $0x1  }
0xa5: {  	[sflag:s23] =	ssyncset.done $0x0  }
0xa6: {  	s25 =	simm.s32 $0x1B8E;
	s24 =	sld [smem:$0x3FFE];
	[sflag:s23] =	ssyncadd.s32 $0xFFFFFFFF  }
0xa7: {  	s26 =	simm.s32 $execute0_lowered;
	[smem:$0x3FD2] =	sst s25  }
0xa8: {  	s7 =	sshll.u32 s26, $0x1;
	_ =	strace $0x80000046;
	[dreg:$0x1] =	wrdreg $0xFFFFFFFF  }
0xa9: {  	s28 =	simm.s32 $_size_execute0_lowered;
	s5 =	sadd.s32 s5, s7;
	[dreg:$0x0] =	wrdreg $0x0  }
0xaa: {  	s7 =	sshll.u32 s28, $0x1;
	[dreg:$0x2] =	wrdreg s5  }
0xab: {  	[dreg:$0x3] =	wrdreg s7  }
0xac: {  	[dreg:$0x4] =	wrdreg $0xC0  }
0xad: {  	_ =	task [dreg:s9], $0x5FFFF  }
0xae: {  	[dreg:$0x1] =	wrdreg $0xFFFFFFFF  }
0xaf: {  	[dreg:$0x0] =	wrdreg $0x60  }
0xb0: {  	[dreg:$0x2] =	wrdreg s24  }
0xb1: {  	[dreg:$0x3] =	wrdreg s2  }
0xb2: {  	[dreg:$0x4] =	wrdreg s18  }
0xb3: {  	[dreg:$0x5] =	wrdreg s4  }
0xb4: {  	[dreg:$0x6] =	wrdreg $0x2F000  }
0xb5: {  	[dreg:$0x7] =	wrdreg $0x9  }
0xb6: {  	_ =	task.clear_ibuf [dreg:s9], $0x8FFFF;
	_ =	strace $0x90000046  }
0xb7: {  	s29 =	simm.s32 $0x9;
	_ =	strace $0x80000048  }
0xb8: {  	_ =	swait.ge [sflag:s29], $0x1  }
0xb9: {  	[sflag:s29] =	ssyncadd.s32 $0xFFFFFFFF  }
0xba: {  	_ =	strace $0x90000048  }
0xbb: {  	_ =	sfence  }
0xbc: {  	s30 =	sld [smem:$0x0];
	_ =	sdelay $0x2  }
0xbd: {  	s31 =	sshll.u32 s1, $0xD;
	s1 =	sshrl.u32 s1, $0x2  }
0xbe: {  	s3 =	sand.u32 $0x4000, s31;
	s1 =	sadd.s32 s1, s30  }
0xbf: {  	s0 =	sor.u32 s3, s0;
	s1 =	sshll.u32 s1, $0x11  }
0xc0: {  	s0 =	sor.u32 s1, s0  }
0xc1: {  	s0 =	sadd.s32 $0x8F2B, s0  }
0xc2: {  	[sflag:s0] =	ssyncadd.remote.s32 $0x1  }
0xc3: {  	_ =	sfence.sel $0xFFFF  }
0xc4: {  	[dreg:$0x0] =	wrdreg $0xFFFFFFFF;
	(pc) =	sbr.abs _section_cstart, $3  }
0xc5: {  	[dreg:$0x1] =	wrdreg $0xFFFFFFFF  }
0xc6: {  	_ =	task.clear_ibuf [dreg:s9], $0x2FFFF;
	_ =	strace $0x9FFFFFFF  }
0xc7: {  	(tm) =	ssettm $0x7FFFFFFF  }
tec
execute0_lowered:
.L_overlay_start_1:
0x0: {  	(tag) =	ssettag $0x1  }
0x1: {  	s8 =	rddreg [dreg:$0x0]  }
0x2: {  	s1 =	rddreg [dreg:$0x1]  }
0x3: {  	s2 =	rddreg [dreg:$0x2]  }
0x4: {  	s3 =	rddreg [dreg:$0x3]  }
0x5: {  	s4 =	rddreg [dreg:$0x4]  }
0x6: {  	s0 =	rddreg [dreg:$0x5];
	s6 =	simm.s32 $0x0  }
0x7: {  	s5 =	stileid.u32;
	s10 =	srdreg.scid;
	s20 =	simm.s32 $0x2A80  }
0x8: {  	[smem:$0x7FF] =	sst s6;
	s7 =	sadd.s32 $0x6000, s8;
	s9 =	sshll.u32 s5, $0xA  }
0x9: {  	s29 =	sshll.u32 s5, $0x4;
	s30 =	sshll.u32 s5, $0x8;
	s14 =	sand.u32 $0x1, s10  }
0xa: {  	p1 =	slt.u32 s5, $0x8;
	s17 =	sadd.s32 $0xFFFFFFFF, s5;
	p3 =	seq.s32 s5, $0x0  }
0xb: {  	s19 =	sshll.u32 s5, $0x9;
	p4 =	sgt.u32 s5, $0x7;
	_ =	strace $0x80000047  }
0xc: {  	s11 =	sadd.s32 s9, s8;
	s12 =	sadd.s32 s29, s8;
	s10 =	ssub.s32 $0x2, s14  }
0xd: {  	p0 =	seq.s32 s14, $0x0;
	s13 =	sadd.s32 s30, s8;
	p2 =	seq.s32 s14, $0x1  }
0xe: {  	s15 =	smul.u32 $0xFE, s14;
	s18 =	sshll.u32 s14, $0x1;
	s31 =	sshrl.u32 s10, $0x1  }
0xf: {  	p0 =	por !p1, !p0;
	s8 =	sadd.s32 $0xC00, s11;
	s9 =	sadd.s32 $0x5E00, s12  }
0x10: {  	p1 =	por !p1, !p2;
	s11 =	sadd.s32 $0x2C00, s11;
	s12 =	sadd.s32 $0x5C00, s12  }
.Ltmp0:
0x11: {  	p2 =	por !p3, !p2;
	p3 =	sgt.u32 s17, $0x6;
	(pc) =	sbr.rel .LBB2_1-.Ltmp0, $4  }
0x12: {  	s17 =	sshrl.u32 s19, $0x2;
	s19 =	simm.s32 $0x1;
	s16 =	ssub.s32 s10, s31  }
0x13: {  	p0 =	por !p0, !p0;
	s10 =	sadd.s32 $0x4C00, s13;
	p1 =	por !p1, !p1  }
0x14: {  	s13 =	sadd.s32 $0x5400, s13;
	s14 =	sor.u32 $0x1, s15;
	s15 =	ssub.s32 $0x1, s18  }
0x15: {  	p2 =	por !p2, !p2;
	s18 =	simm.s32 $0x2A00;
	s16 =	smax.u32 s16, $0x1  }
.LBB2_8:
0x16: {  	v0 =	vld @p2 [tilespmem:$0x2900]  }
0x17: {  	v1 =	vld @p2 [tilespmem:$0x2910]  }
0x18: {  	v2 =	vld @p2 [tilespmem:$0x2920];
	_ =	sdelay $0x2  }
0x19: {  	[tilespmem:$0x2E80] =	vst @p2 v0  }
0x1a: {  	[tilespmem:$0x2E90] =	vst @p2 v1  }
0x1b: {  	[tilespmem:$0x2EA0] =	vst @p2 v2;
	v0 =	vimm.f32 @p2 $0.0e+00  }
0x1c: {  	[tilespmem:$0x2E80] =	vst @p2 v0  }
0x1d: {  	[tilespmem:$0x2E90] =	vst @p2 v0  }
0x1e: {  	s6 =	sadd.s32 $0x1, s6;
	[tilespmem:$0x2EA0] =	vst @p2 v0  }
0x1f: {  	s21 =	simm.s32 @p2 $0x0;
	s22 =	simm.s32 @p2 $0x2E80;
	p5 =	sne.s32 s6, s16;
	[tilespmem:$0x2EB0] =	vst @p2 v0  }
0x20: {  	[hbm4b:s3+s21] =	stream.linear.scatter @p2 [tilespmem:s22], [sflag:$0x1], $0x80, $0x38;
	[tilespmem:$0x2F40] =	vst v63  }
.Ltmp1:
0x21: {  	_ = 	snop;
	(pc) =	sbr.rel @!p5 .LBB2_9-.Ltmp1, $4  }
0x22: {  	s21 =	simm.s32 @p2 $0x1  }
0x23: {  	_ =	swait.ge @p2 [sflag:s21], $0x80  }
0x24: {  	[sflag:s21] =	ssyncset.done @p2 $0x0  }
0x25: {  	[sflag:s21] =	ssyncadd.s32 @p2 $0xFFFFFF80  }
.LBB2_1:
0x26: {  	s21 =	simm.s32 @p0 $0x0;
	s22 =	simm.s32 @p0 $0x2900  }
0x27: {  	[tilespmem:s22], [sflag:$0x1] =	stream.linear.gather @p0 [hbm4b:s7+s21], $0x80, $0x38;
	[tilespmem:$0x2F40] =	vst v63  }
0x28: {  	s22 =	simm.s32 @p0 $0x1  }
0x29: {  	_ =	swait.ge @p0 [sflag:s22], $0x80  }
0x2a: {  	[sflag:s22] =	ssyncset.done @p0 $0x0  }
0x2b: {  	[sflag:s22] =	ssyncadd.s32 @p0 $0xFFFFFF80  }
0x2c: {  	[tilespmem:s21], [sflag:$0x1] =	stream.linear.gather @p0 [hbm4b:s8+s21], $0x2000, $0x38;
	[tilespmem:$0x2F40] =	vst v63  }
0x2d: {  	_ =	swait.ge @p0 [sflag:s22], $0x2000  }
0x2e: {  	[sflag:s22] =	ssyncset.done @p0 $0x0  }
0x2f: {  	s23 =	simm.s32 @p0 $0x2000;
	[sflag:s22] =	ssyncadd.s32 @p0 $0xFFFFE000  }
0x30: {  	[tilespmem:s23], [sflag:$0x1] =	stream.linear.gather @p0 [hbm4b:s9+s21], $0x80, $0x38;
	[tilespmem:$0x2F40] =	vst v63  }
0x31: {  	_ =	swait.ge @p0 [sflag:s22], $0x80  }
0x32: {  	[sflag:s22] =	ssyncset.done @p0 $0x0  }
0x33: {  	s23 =	simm.s32 @p0 $0x2080;
	[sflag:s22] =	ssyncadd.s32 @p0 $0xFFFFFF80  }
0x34: {  	[tilespmem:s23], [sflag:$0x1] =	stream.linear.gather @p0 [hbm4b:s10+s21], $0x800, $0x38;
	[tilespmem:$0x2F40] =	vst v63  }
0x35: {  	_ =	swait.ge @p0 [sflag:s22], $0x800  }
0x36: {  	[sflag:s22] =	ssyncset.done @p0 $0x0  }
0x37: {  	s23 =	simm.s32 @p0 $0x2880;
	[sflag:s22] =	ssyncadd.s32 @p0 $0xFFFFF800  }
0x38: {  	[tilespmem:s23], [sflag:$0x1] =	stream.linear.gather @p0 [hbm4b:s1+s21], $0x80, $0x38;
	[tilespmem:$0x2F40] =	vst v63  }
0x39: {  	_ =	swait.ge @p0 [sflag:s22], $0x80  }
0x3a: {  	[sflag:s22] =	ssyncset.done @p0 $0x0  }
0x3b: {  	s21 =	simm.s32 @p1 $0x0;
	[sflag:s22] =	ssyncadd.s32 @p0 $0xFFFFFF80;
	s22 =	simm.s32 @p1 $0x1  }
0x3c: {  	[tilespmem:s21], [sflag:$0x1] =	stream.linear.gather @p1 [hbm4b:s11+s21], $0x2000, $0x38;
	[tilespmem:$0x2F40] =	vst v63  }
0x3d: {  	_ =	swait.ge @p1 [sflag:s22], $0x2000  }
0x3e: {  	[sflag:s22] =	ssyncset.done @p1 $0x0  }
0x3f: {  	s23 =	simm.s32 @p1 $0x2000;
	[sflag:s22] =	ssyncadd.s32 @p1 $0xFFFFE000  }
0x40: {  	[tilespmem:s23], [sflag:$0x1] =	stream.linear.gather @p1 [hbm4b:s12+s21], $0x80, $0x38;
	[tilespmem:$0x2F40] =	vst v63  }
0x41: {  	_ =	swait.ge @p1 [sflag:s22], $0x80  }
0x42: {  	[sflag:s22] =	ssyncset.done @p1 $0x0  }
0x43: {  	s23 =	simm.s32 @p1 $0x2080;
	[sflag:s22] =	ssyncadd.s32 @p1 $0xFFFFFF80  }
0x44: {  	[tilespmem:s23], [sflag:$0x1] =	stream.linear.gather @p1 [hbm4b:s13+s21], $0x800, $0x38;
	[tilespmem:$0x2F40] =	vst v63  }
0x45: {  	_ =	swait.ge @p1 [sflag:s22], $0x800  }
0x46: {  	[sflag:s22] =	ssyncset.done @p1 $0x0  }
0x47: {  	s23 =	simm.s32 @p1 $0x2880;
	[sflag:s22] =	ssyncadd.s32 @p1 $0xFFFFF800  }
0x48: {  	[tilespmem:s23], [sflag:$0x1] =	stream.linear.gather @p1 [hbm4b:s2+s21], $0x80, $0x38;
	[tilespmem:$0x2F40] =	vst v63  }
0x49: {  	_ =	swait.ge @p1 [sflag:s22], $0x80  }
0x4a: {  	[sflag:s22] =	ssyncset.done @p1 $0x0  }
.Ltmp2:
0x4b: {  	v0 =	vimm.f32 @!p3 $0.0e+00;
	[sflag:s22] =	ssyncadd.s32 @p1 $0xFFFFFF80;
	(pc) =	sbr.rel .LBB2_2-.Ltmp2, $4  }
0x4c: {  	[tilespmem:$0x2880] =	vst @!p3 v0  }
0x4d: {  	[tilespmem:$0x2890] =	vst @!p3 v0  }
0x4e: {  	[tilespmem:$0x28A0] =	vst @!p3 v0  }
0x4f: {  	s21 =	simm.s32 $0x1;
	s22 =	smov.u32 s14;
	[tilespmem:$0x28B0] =	vst @!p3 v0  }
.LBB2_6:
0x50: {  	[bflag:$0x0] =	sbarrier.arrive $0xFFFF  }
.LBB2_7:
0x51: {  	s22 =	sadd.s32 s21, s15;
	s21 =	sadd.s32 $0x1, s21  }
0x52: {  	p5 =	sne.s32 s21, $0x100  }
.Ltmp3:
0x53: {  	_ = 	snop;
	(pc) =	sbr.rel @!p5 .LBB2_8-.Ltmp3, $1  }
0x54: {  	_ =	sdelay $0x3  }
.LBB2_2:
.Ltmp4:
0x55: {  	(pc) =	sbr.rel @p4 .LBB2_6-.Ltmp4, $1  }
0x56: {  	_ =	sdelay $0x3  }
0x57: {  	p5 =	seq.s32 s22, s21  }
0x58: {  	v0 =	vimm.f32 @!p5 $0.0e+00  }
0x59: {  	[tilespmem:$0x2900] =	vst @!p5 v0  }
0x5a: {  	[tilespmem:$0x2910] =	vst @!p5 v0  }
0x5b: {  	[tilespmem:$0x2920] =	vst @!p5 v0  }
0x5c: {  	s31 =	simm.s32 $0x0;
	[tilespmem:$0x2930] =	vst @!p5 v0  }
0x5d: {  	v0 =	vld [tilespmem:s31+$0x2900]  }
0x5e: {  	s22 =	simm.s32 $0x400  }
0x5f: {  	v1 =	vld [tilespmem:s22+$0xFFFFFC00]  }
0x60: {  	v2 =	vld [tilespmem:$0x2000]  }
0x61: {  	v3 =	vld [tilespmem:s22+$0xFFFFFC80]  }
0x62: {  	v4 =	vbroadcast v0, $0x0  }
0x63: {  	v5 =	vld [tilespmem:s22+$0xFFFFFD00]  }
0x64: {  	v1 =	vmul.f32 v1, v4;
	v4 =	vbroadcast v0, $0x1  }
0x65: {  	v6 =	vld [tilespmem:s22+$0xFFFFFD80]  }
0x66: {  	v1 =	vadd.f32 v1, v2;
	v2 =	vmul.f32 v3, v4;
	v3 =	vbroadcast v0, $0x2  }
0x67: {  	v4 =	vld [tilespmem:s22+$0xFFFFFE00]  }
0x68: {  	v1 =	vadd.f32 v2, v1;
	v2 =	vmul.f32 v5, v3;
	v3 =	vbroadcast v0, $0x3  }
0x69: {  	v5 =	vld [tilespmem:s22+$0xFFFFFE80]  }
0x6a: {  	v1 =	vadd.f32 v2, v1;
	v2 =	vmul.f32 v6, v3;
	v3 =	vbroadcast v0, $0x4  }
0x6b: {  	v6 =	vld [tilespmem:s22+$0xFFFFFF00]  }
0x6c: {  	v1 =	vadd.f32 v2, v1;
	v2 =	vmul.f32 v4, v3;
	v3 =	vbroadcast v0, $0x5  }
0x6d: {  	v4 =	vld [tilespmem:s22+$0xFFFFFF80]  }
0x6e: {  	v1 =	vadd.f32 v2, v1;
	v2 =	vmul.f32 v5, v3;
	v3 =	vbroadcast v0, $0x6  }
0x6f: {  	v5 =	vld [tilespmem:s22+$0x0]  }
0x70: {  	v1 =	vadd.f32 v2, v1;
	v2 =	vmul.f32 v6, v3;
	v3 =	vbroadcast v0, $0x7  }
0x71: {  	v6 =	vld [tilespmem:s22+$0x80]  }
0x72: {  	v1 =	vadd.f32 v2, v1;
	v2 =	vmul.f32 v4, v3;
	v3 =	vbroadcast v0, $0x8  }
0x73: {  	v4 =	vld [tilespmem:s22+$0x100]  }
0x74: {  	v1 =	vadd.f32 v2, v1;
	v2 =	vmul.f32 v5, v3;
	v3 =	vbroadcast v0, $0x9  }
0x75: {  	v5 =	vld [tilespmem:s22+$0x180]  }
0x76: {  	v1 =	vadd.f32 v2, v1;
	v2 =	vmul.f32 v6, v3;
	v3 =	vbroadcast v0, $0xA  }
0x77: {  	v6 =	vld [tilespmem:s22+$0x200]  }
0x78: {  	v1 =	vadd.f32 v2, v1;
	v2 =	vmul.f32 v4, v3;
	v4 =	vbroadcast v0, $0xB  }
0x79: {  	v3 =	vld [tilespmem:s22+$0x280]  }
0x7a: {  	v2 =	vadd.f32 v2, v1;
	v4 =	vmul.f32 v5, v4;
	v5 =	vbroadcast v0, $0xC  }
0x7b: {  	v1 =	vld [tilespmem:s22+$0x300]  }
0x7c: {  	s24 =	simm.s32 $0x10;
	s23 =	simm.s32 $0x80;
	v4 =	vadd.f32 v4, v2;
	v5 =	vmul.f32 v6, v5;
	v6 =	vbroadcast v0, $0xD;
	v2 =	vld [tilespmem:s22+$0x380]  }
.LBB2_4:
0x7d: {  	p5 =	sne.s32 s23, $0xC0;
	v7 =	vld [tilespmem:s24+$0x2900]  }
0x7e: {  	s22 =	sadd.s32 $0x800, s22;
	v4 =	vadd.f32 v5, v4;
	v3 =	vmul.f32 v3, v6;
	v5 =	vbroadcast v0, $0xE  }
0x7f: {  	v6 =	vld [tilespmem:s22+$0xFFFFFC00]  }
0x80: {  	v8 =	vbroadcast v0, $0xF;
	v3 =	vadd.f32 v3, v4;
	v1 =	vmul.f32 v1, v5  }
0x81: {  	v4 =	vld [tilespmem:s22+$0xFFFFFC80]  }
0x82: {  	v2 =	vmul.f32 v2, v8;
	v5 =	vbroadcast v7, $0x0;
	v1 =	vadd.f32 v1, v3;
	v0 =	vmovc v7  }
0x83: {  	v3 =	vld [tilespmem:s22+$0xFFFFFD00]  }
0x84: {  	v5 =	vmul.f32 v6, v5;
	v6 =	vbroadcast v0, $0x1;
	v1 =	vadd.f32 v2, v1  }
0x85: {  	v2 =	vld [tilespmem:s22+$0xFFFFFD80]  }
0x86: {  	v1 =	vadd.f32 v5, v1;
	v4 =	vmul.f32 v4, v6;
	v5 =	vbroadcast v0, $0x2  }
0x87: {  	v6 =	vld [tilespmem:s22+$0xFFFFFE00]  }
0x88: {  	v1 =	vadd.f32 v4, v1;
	v3 =	vmul.f32 v3, v5;
	v4 =	vbroadcast v0, $0x3  }
0x89: {  	v5 =	vld [tilespmem:s22+$0xFFFFFE80]  }
0x8a: {  	v1 =	vadd.f32 v3, v1;
	v2 =	vmul.f32 v2, v4;
	v3 =	vbroadcast v0, $0x4  }
0x8b: {  	v4 =	vld [tilespmem:s22+$0xFFFFFF00]  }
0x8c: {  	v1 =	vadd.f32 v2, v1;
	v2 =	vmul.f32 v6, v3;
	v3 =	vbroadcast v0, $0x5  }
0x8d: {  	v6 =	vld [tilespmem:s22+$0xFFFFFF80]  }
0x8e: {  	v1 =	vadd.f32 v2, v1;
	v2 =	vmul.f32 v5, v3;
	v3 =	vbroadcast v0, $0x6  }
0x8f: {  	v5 =	vld [tilespmem:s22+$0x0]  }
0x90: {  	v1 =	vadd.f32 v2, v1;
	v2 =	vmul.f32 v4, v3;
	v3 =	vbroadcast v0, $0x7  }
0x91: {  	v4 =	vld [tilespmem:s22+$0x80]  }
0x92: {  	v1 =	vadd.f32 v2, v1;
	v2 =	vmul.f32 v6, v3;
	v3 =	vbroadcast v0, $0x8  }
0x93: {  	v6 =	vld [tilespmem:s22+$0x100]  }
0x94: {  	v1 =	vadd.f32 v2, v1;
	v2 =	vmul.f32 v5, v3;
	v3 =	vbroadcast v0, $0x9  }
0x95: {  	v5 =	vld [tilespmem:s22+$0x180]  }
0x96: {  	v1 =	vadd.f32 v2, v1;
	v2 =	vmul.f32 v4, v3;
	v3 =	vbroadcast v0, $0xA  }
0x97: {  	v7 =	vld [tilespmem:s22+$0x200]  }
.Ltmp5:
0x98: {  	v4 =	vbroadcast v0, $0xB;
	v1 =	vadd.f32 v2, v1;
	v2 =	vmul.f32 v6, v3;
	(pc) =	sbr.rel @p5 .LBB2_4-.Ltmp5, $4  }
0x99: {  	v3 =	vld [tilespmem:s22+$0x280]  }
0x9a: {  	v2 =	vadd.f32 v2, v1;
	v4 =	vmul.f32 v5, v4;
	v5 =	vbroadcast v0, $0xC  }
0x9b: {  	v1 =	vld [tilespmem:s22+$0x300]  }
0x9c: {  	s24 =	sshra.s32 s23, $0x2;
	s23 =	sadd.s32 $0x40, s23;
	v6 =	vbroadcast v0, $0xD;
	v4 =	vadd.f32 v4, v2;
	v5 =	vmul.f32 v7, v5;
	v2 =	vld [tilespmem:s22+$0x380]  }
0x9d: {  	v7 =	vld [tilespmem:s24+$0x2900]  }
0x9e: {  	v22 =	vbroadcast v0, $0xE;
	s22 =	sadd.s32 $0x800, s22;
	v4 =	vadd.f32 v5, v4;
	v3 =	vmul.f32 v3, v6  }
0x9f: {  	v23 =	vld [tilespmem:s22+$0xFFFFFC00]  }
0xa0: {  	v24 =	vbroadcast v0, $0xF;
	v3 =	vadd.f32 v3, v4;
	v1 =	vmul.f32 v1, v22  }
0xa1: {  	v25 =	vld [tilespmem:s22+$0xFFFFFC80]  }
0xa2: {  	v0 =	vmul.f32 v2, v24;
	v26 =	vbroadcast v7, $0x0;
	v1 =	vadd.f32 v1, v3  }
0xa3: {  	v27 =	vld [tilespmem:s22+$0xFFFFFD00]  }
0xa4: {  	v45 =	vld [tilespmem:$0x2880];
	v29 =	vbroadcast v7, $0x1;
	v5 =	vmul.f32 v23, v26;
	v0 =	vadd.f32 v0, v1  }
0xa5: {  	v28 =	vld [tilespmem:s22+$0xFFFFFD80]  }
0xa6: {  	v14 =	vld [tilespmem:$0x2890];
	v31 =	vbroadcast v7, $0x2;
	v4 =	vmul.f32 v25, v29;
	v0 =	vadd.f32 v5, v0  }
0xa7: {  	v30 =	vld [tilespmem:s22+$0xFFFFFE00]  }
0xa8: {  	v48 =	vld [tilespmem:$0x28A0];
	v33 =	vbroadcast v7, $0x3;
	v2 =	vmul.f32 v27, v31;
	v0 =	vadd.f32 v4, v0  }
0xa9: {  	v8 =	vld [tilespmem:s22+$0xFFFFFE80]  }
0xaa: {  	v15 =	vld [tilespmem:$0x28B0];
	v36 =	vbroadcast v7, $0x4;
	v35 =	vmul.f32 v28, v33;
	v0 =	vadd.f32 v2, v0  }
0xab: {  	v32 =	vld [tilespmem:s22+$0xFFFFFF00]  }
0xac: {  	v51 =	vld [tilespmem:$0x2080];
	v38 =	vbroadcast v7, $0x5;
	v1 =	vmul.f32 v30, v36;
	v0 =	vadd.f32 v35, v0  }
0xad: {  	v9 =	vld [tilespmem:s22+$0xFFFFFF80]  }
0xae: {  	v16 =	vld [tilespmem:$0x2090];
	v41 =	vbroadcast v7, $0x6;
	v40 =	vmul.f32 v8, v38;
	v0 =	vadd.f32 v1, v0  }
0xaf: {  	v34 =	vld [tilespmem:s22+$0x0]  }
0xb0: {  	v54 =	vld [tilespmem:$0x20A0];
	v44 =	vbroadcast v7, $0x7;
	v43 =	vmul.f32 v32, v41;
	v0 =	vadd.f32 v40, v0  }
0xb1: {  	v10 =	vld [tilespmem:s22+$0x80]  }
0xb2: {  	v17 =	vld [tilespmem:$0x20B0];
	v47 =	vbroadcast v7, $0x8;
	v46 =	vmul.f32 v9, v44;
	v0 =	vadd.f32 v43, v0  }
0xb3: {  	v37 =	vld [tilespmem:s22+$0x100]  }
0xb4: {  	v57 =	vld [tilespmem:$0x2100];
	v50 =	vbroadcast v7, $0x9;
	v49 =	vmul.f32 v34, v47;
	v0 =	vadd.f32 v46, v0  }
0xb5: {  	v11 =	vld [tilespmem:s22+$0x180]  }
0xb6: {  	v18 =	vld [tilespmem:$0x2110];
	v53 =	vbroadcast v7, $0xA;
	v52 =	vmul.f32 v10, v50;
	v0 =	vadd.f32 v49, v0  }
0xb7: {  	v39 =	vld [tilespmem:s22+$0x200]  }
0xb8: {  	v60 =	vld [tilespmem:$0x2120];
	v56 =	vbroadcast v7, $0xB;
	v55 =	vmul.f32 v37, v53;
	v0 =	vadd.f32 v52, v0  }
0xb9: {  	v12 =	vld [tilespmem:s22+$0x280]  }
0xba: {  	v19 =	vld [tilespmem:$0x2130];
	v59 =	vbroadcast v7, $0xC;
	v58 =	vmul.f32 v11, v56;
	v0 =	vadd.f32 v55, v0  }
0xbb: {  	v42 =	vld [tilespmem:s22+$0x300]  }
0xbc: {  	v63 =	vld [tilespmem:$0x2180];
	v62 =	vbroadcast v7, $0xD;
	v61 =	vmul.f32 v39, v59;
	v0 =	vadd.f32 v58, v0  }
0xbd: {  	v13 =	vld [tilespmem:s22+$0x380]  }
0xbe: {  	v20 =	vld [tilespmem:$0x2190];
	v30 =	vmul.f32 v12, v62;
	v31 =	vbroadcast v7, $0xE;
	v0 =	vadd.f32 v61, v0  }
0xbf: {  	v21 =	vld [tilespmem:$0x21B0]  }
0xc0: {  	v22 =	vld [tilespmem:$0x2290];
	v34 =	vbroadcast v7, $0xF;
	v33 =	vmul.f32 v42, v31;
	v0 =	vadd.f32 v30, v0  }
0xc1: {  	v32 =	vld [tilespmem:$0x21A0]  }
0xc2: {  	v36 =	vld [tilespmem:$0x2210];
	v37 =	vmul.f32 v13, v34;
	v0 =	vadd.f32 v33, v0  }
0xc3: {  	v38 =	vld [tilespmem:$0x2220]  }
0xc4: {  	v39 =	vld [tilespmem:$0x2230];
	v0 =	vadd.f32 v37, v0  }
0xc5: {  	v23 =	vld [tilespmem:$0x22A0]  }
0xc6: {  	v25 =	vld [tilespmem:$0x22B0];
	v0 =	vmax.f32 v0, $0.0e+00  }
0xc7: {  	v26 =	vld [tilespmem:$0x2300];
	v24 =	vbroadcast v0, $0x0  }
0xc8: {  	v35 =	vld [tilespmem:$0x2200];
	v28 =	vbroadcast v0, $0x1;
	v53 =	vbroadcast v0, $0x3  }
0xc9: {  	v27 =	vld [tilespmem:$0x2310];
	v59 =	vbroadcast v0, $0x4;
	v31 =	vbroadcast v0, $0x5  }
0xca: {  	v40 =	vld [tilespmem:$0x2280];
	v5 =	vmul.f32 v51, v24;
	v16 =	vmul.f32 v16, v24  }
0xcb: {  	v29 =	vld [tilespmem:$0x2320];
	v10 =	vmul.f32 v54, v24;
	v41 =	vmul.f32 v17, v24  }
0xcc: {  	v56 =	vld [tilespmem:$0x2410];
	v4 =	vmul.f32 v57, v28;
	v44 =	vmul.f32 v18, v28  }
0xcd: {  	v62 =	vld [tilespmem:$0x2480];
	v47 =	vmul.f32 v60, v28;
	v7 =	vmul.f32 v35, v53  }
0xce: {  	v42 =	vld [tilespmem:$0x2330];
	v58 =	vmul.f32 v36, v53;
	v2 =	vmul.f32 v38, v53  }
0xcf: {  	v34 =	vld [tilespmem:$0x24B0];
	v61 =	vmul.f32 v39, v53;
	v1 =	vmul.f32 v40, v59  }
0xd0: {  	v43 =	vld [tilespmem:$0x2380];
	v30 =	vmul.f32 v23, v59;
	v33 =	vmul.f32 v25, v59  }
0xd1: {  	v46 =	vld [tilespmem:$0x2390];
	v35 =	vmul.f32 v26, v31;
	v37 =	vmul.f32 v27, v31  }
0xd2: {  	v49 =	vld [tilespmem:$0x23A0];
	v38 =	vbroadcast v0, $0x6;
	v40 =	vmul.f32 v29, v31  }
0xd3: {  	v51 =	vld [tilespmem:$0x23B0];
	v53 =	vbroadcast v0, $0x8;
	v18 =	vbroadcast v0, $0xF  }
0xd4: {  	v54 =	vld [tilespmem:$0x2400];
	v5 =	vadd.f32 v5, v45;
	v14 =	vadd.f32 v16, v14;
	v45 =	vbroadcast v0, $0x2  }
0xd5: {  	v57 =	vld [tilespmem:$0x2420];
	v9 =	vadd.f32 v10, v48;
	v48 =	vmul.f32 v19, v28;
	v16 =	vmul.f32 v42, v31  }
0xd6: {  	v60 =	vld [tilespmem:$0x2430];
	v6 =	vadd.f32 v41, v15;
	v42 =	vmul.f32 v43, v38;
	v43 =	vmul.f32 v46, v38  }
0xd7: {  	v36 =	vld [tilespmem:$0x2500];
	v46 =	vbroadcast v0, $0x7;
	v4 =	vadd.f32 v4, v5;
	v3 =	vmul.f32 v63, v45  }
0xd8: {  	v39 =	vld [tilespmem:$0x2510];
	v14 =	vadd.f32 v44, v14;
	v50 =	vmul.f32 v20, v45;
	v52 =	vmul.f32 v32, v45  }
0xd9: {  	v28 =	vld [tilespmem:$0x2490];
	v5 =	vadd.f32 v47, v9;
	v55 =	vmul.f32 v21, v45;
	v63 =	vmul.f32 v22, v59  }
0xda: {  	v41 =	vld [tilespmem:$0x2520];
	v6 =	vadd.f32 v48, v6;
	v45 =	vmul.f32 v49, v38;
	v21 =	vmul.f32 v34, v53  }
0xdb: {  	v32 =	vld [tilespmem:$0x24A0];
	v48 =	vmul.f32 v51, v38;
	v3 =	vadd.f32 v3, v4;
	v14 =	vadd.f32 v50, v14  }
0xdc: {  	v49 =	vld [tilespmem:$0x2590];
	v5 =	vadd.f32 v52, v5;
	v50 =	vmul.f32 v54, v46;
	v52 =	vmul.f32 v56, v46  }
0xdd: {  	v44 =	vld [tilespmem:$0x2530];
	v4 =	vadd.f32 v55, v6;
	v55 =	vmul.f32 v57, v46;
	v56 =	vmul.f32 v60, v46  }
0xde: {  	v47 =	vld [tilespmem:$0x2580];
	v59 =	vmul.f32 v28, v53;
	v28 =	vbroadcast v0, $0xA;
	v3 =	vadd.f32 v7, v3  }
0xdf: {  	v51 =	vld [tilespmem:$0x25A0];
	v6 =	vadd.f32 v58, v14;
	v2 =	vadd.f32 v2, v5;
	v58 =	vmul.f32 v62, v53  }
0xe0: {  	v54 =	vld [tilespmem:$0x25B0];
	v4 =	vadd.f32 v61, v4;
	v62 =	vbroadcast v0, $0x9;
	v61 =	vmul.f32 v32, v53  }
0xe1: {  	v57 =	vld [tilespmem:$0x2600];
	v13 =	vmul.f32 v49, v28;
	v1 =	vadd.f32 v1, v3;
	v6 =	vadd.f32 v63, v6  }
0xe2: {  	v24 =	vld [tilespmem:$0x2630];
	v2 =	vadd.f32 v30, v2;
	v25 =	vmul.f32 v36, v62;
	v27 =	vmul.f32 v39, v62  }
0xe3: {  	v60 =	vld [tilespmem:$0x2610];
	v3 =	vadd.f32 v33, v4;
	v30 =	vmul.f32 v41, v62;
	v31 =	vmul.f32 v44, v62  }
0xe4: {  	v63 =	vld [tilespmem:$0x2620];
	v33 =	vmul.f32 v47, v28;
	v36 =	vbroadcast v0, $0xB;
	v1 =	vadd.f32 v35, v1  }
0xe5: {  	v39 =	vld [tilespmem:$0x2710];
	v38 =	vmul.f32 v54, v28;
	v4 =	vadd.f32 v37, v6;
	v2 =	vadd.f32 v40, v2  }
0xe6: {  	v41 =	vld [tilespmem:$0x2720];
	v3 =	vadd.f32 v16, v3;
	v35 =	vmul.f32 v51, v28;
	v40 =	vmul.f32 v57, v36  }
0xe7: {  	v26 =	vld [tilespmem:$0x2680];
	v7 =	vmul.f32 v24, v36;
	v1 =	vadd.f32 v42, v1;
	v4 =	vadd.f32 v43, v4  }
0xe8: {  	v29 =	vld [tilespmem:$0x2690];
	v51 =	vbroadcast v0, $0xD;
	v2 =	vadd.f32 v45, v2;
	v3 =	vadd.f32 v48, v3  }
0xe9: {  	v32 =	vld [tilespmem:$0x26A0];
	v42 =	vmul.f32 v60, v36;
	v43 =	vbroadcast v0, $0xC;
	v1 =	vadd.f32 v50, v1  }
0xea: {  	v34 =	vld [tilespmem:$0x26B0];
	v45 =	vmul.f32 v63, v36;
	v57 =	vmul.f32 v39, v51;
	v4 =	vadd.f32 v52, v4  }
0xeb: {  	v37 =	vld [tilespmem:$0x2700];
	v60 =	vmul.f32 v41, v51;
	v2 =	vadd.f32 v55, v2;
	v1 =	vadd.f32 v58, v1  }
0xec: {  	v3 =	vadd.f32 v56, v3;
	v47 =	vmul.f32 v26, v43;
	v4 =	vadd.f32 v59, v4  }
0xed: {  	v44 =	vld [tilespmem:$0x2730];
	v48 =	vmul.f32 v29, v43;
	v2 =	vadd.f32 v61, v2;
	v1 =	vadd.f32 v25, v1  }
0xee: {  	v46 =	vld [tilespmem:$0x2780];
	v50 =	vmul.f32 v32, v43;
	v3 =	vadd.f32 v21, v3;
	v4 =	vadd.f32 v27, v4  }
0xef: {  	v49 =	vld [tilespmem:$0x2790];
	v53 =	vmul.f32 v34, v43;
	v2 =	vadd.f32 v30, v2;
	v1 =	vadd.f32 v33, v1  }
0xf0: {  	v54 =	vld [tilespmem:$0x27B0];
	v55 =	vmul.f32 v37, v51;
	v3 =	vadd.f32 v31, v3;
	v4 =	vadd.f32 v13, v4  }
0xf1: {  	v52 =	vld [tilespmem:$0x27A0];
	v58 =	vbroadcast v0, $0xE;
	v2 =	vadd.f32 v35, v2;
	v1 =	vadd.f32 v40, v1  }
0xf2: {  	v56 =	vld [tilespmem:$0x2800];
	v61 =	vmul.f32 v44, v51;
	v3 =	vadd.f32 v38, v3;
	v4 =	vadd.f32 v42, v4  }
0xf3: {  	v59 =	vld [tilespmem:$0x2810];
	v63 =	vmul.f32 v46, v58;
	v2 =	vadd.f32 v45, v2;
	v1 =	vadd.f32 v47, v1  }
0xf4: {  	v62 =	vld [tilespmem:$0x2820];
	v20 =	vmul.f32 v49, v58;
	v3 =	vadd.f32 v7, v3;
	v4 =	vadd.f32 v48, v4  }
0xf5: {  	v19 =	vld [tilespmem:$0x2830];
	v22 =	vmul.f32 v54, v58;
	v2 =	vadd.f32 v50, v2;
	v1 =	vadd.f32 v55, v1  }
0xf6: {  	v21 =	vmul.f32 v52, v58;
	v3 =	vadd.f32 v53, v3;
	v4 =	vadd.f32 v57, v4  }
0xf7: {  	v8 =	vmul.f32 v56, v18;
	v2 =	vadd.f32 v60, v2;
	v1 =	vadd.f32 v63, v1  }
0xf8: {  	v23 =	vmul.f32 v59, v18;
	v3 =	vadd.f32 v61, v3;
	v4 =	vadd.f32 v20, v4  }
0xf9: {  	v24 =	vmul.f32 v62, v18;
	v2 =	vadd.f32 v21, v2;
	v1 =	vadd.f32 v8, v1  }
0xfa: {  	[tilespmem:$0x2980] =	vst v0;
	v27 =	vmul.f32 v19, v18;
	v25 =	vadd.f32 v22, v3;
	v26 =	vadd.f32 v23, v4  }
0xfb: {  	s31 =	sshll.u32 s21, $0xA;
	v2 =	vadd.f32 v24, v2;
	[tilespmem:$0x2A00] =	vst v1  }
0xfc: {  	s22 =	sand.u32 $0x400, s31;
	v0 =	vadd.f32 v27, v25;
	[tilespmem:$0x2A10] =	vst v26  }
0xfd: {  	s22 =	sadd.s32 s22, s4;
	[tilespmem:$0x2A20] =	vst v2  }
0xfe: {  	s23 =	sadd.s32 s17, s22;
	[tilespmem:$0x2A30] =	vst v0  }
0xff: {  	[spmem:s23] =	stream.linear.scatter [tilespmem:s18], [sflag:$0x1], $0x80, $0x38;
	[tilespmem:$0x2F40] =	vst v63  }
0x100: {  	_ =	swait.ge [sflag:s19], $0x80  }
0x101: {  	[sflag:s19] =	ssyncset.done $0x0  }
0x102: {  	[sflag:s19] =	ssyncadd.s32 $0xFFFFFF80  }
0x103: {  	[bflag:$0x0] =	sbarrier.arrive $0xFFFF  }
0x104: {  	[tilespmem:s20], [sflag:$0x1] =	stream.linear.gather [spmem:s22], $0x400, $0x38;
	[tilespmem:$0x2F40] =	vst v63  }
0x105: {  	_ =	swait.ge [sflag:s19], $0x400  }
0x106: {  	[sflag:s19] =	ssyncset.done $0x0  }
0x107: {  	[sflag:s19] =	ssyncadd.s32 $0xFFFFFC00  }
0x108: {  	v28 =	vld [tilespmem:$0x2A80]  }
0x109: {  	v29 =	vld [tilespmem:$0x2B00]  }
0x10a: {  	v30 =	vld [tilespmem:$0x2B80]  }
0x10b: {  	v31 =	vld [tilespmem:$0x2C00]  }
0x10c: {  	v32 =	vld [tilespmem:$0x2C80]  }
0x10d: {  	v33 =	vld [tilespmem:$0x2D00]  }
0x10e: {  	v34 =	vld [tilespmem:$0x2D80]  }
0x10f: {  	v35 =	vld [tilespmem:$0x2E00]  }
0x110: {  	v36 =	vld [tilespmem:$0x2A90]  }
0x111: {  	v37 =	vld [tilespmem:$0x2B10]  }
0x112: {  	v38 =	vld [tilespmem:$0x2B90]  }
0x113: {  	v39 =	vld [tilespmem:$0x2C10]  }
0x114: {  	v40 =	vld [tilespmem:$0x2C90]  }
0x115: {  	v41 =	vld [tilespmem:$0x2D10]  }
0x116: {  	v42 =	vld [tilespmem:$0x2D90]  }
0x117: {  	v43 =	vld [tilespmem:$0x2E10]  }
0x118: {  	v44 =	vld [tilespmem:$0x2AA0]  }
0x119: {  	v45 =	vld [tilespmem:$0x2B20]  }
0x11a: {  	v46 =	vld [tilespmem:$0x2AB0]  }
0x11b: {  	v47 =	vld [tilespmem:$0x2B30]  }
0x11c: {  	v48 =	vld [tilespmem:$0x2BA0]  }
0x11d: {  	v49 =	vld [tilespmem:$0x2BB0];
	v0 =	vadd.f32 v29, v28  }
0x11e: {  	v50 =	vld [tilespmem:$0x2C20];
	v8 =	vadd.f32 v37, v36  }
0x11f: {  	v52 =	vld [tilespmem:$0x2C30];
	v51 =	vadd.f32 v45, v44;
	v0 =	vadd.f32 v30, v0  }
0x120: {  	v54 =	vld [tilespmem:$0x2CA0];
	v53 =	vadd.f32 v47, v46;
	v8 =	vadd.f32 v38, v8  }
0x121: {  	v55 =	vld [tilespmem:$0x2CB0];
	v2 =	vadd.f32 v48, v51;
	v0 =	vadd.f32 v31, v0  }
0x122: {  	v56 =	vld [tilespmem:$0x2D20];
	v1 =	vadd.f32 v49, v53;
	v8 =	vadd.f32 v39, v8  }
0x123: {  	v57 =	vld [tilespmem:$0x2D30];
	v2 =	vadd.f32 v50, v2;
	v0 =	vadd.f32 v32, v0  }
0x124: {  	v58 =	vld [tilespmem:$0x2DA0];
	v1 =	vadd.f32 v52, v1;
	v8 =	vadd.f32 v40, v8  }
0x125: {  	v59 =	vld [tilespmem:$0x2DB0];
	v2 =	vadd.f32 v54, v2;
	v0 =	vadd.f32 v33, v0  }
0x126: {  	v60 =	vld [tilespmem:$0x2E20];
	v1 =	vadd.f32 v55, v1;
	v8 =	vadd.f32 v41, v8  }
0x127: {  	v61 =	vld [tilespmem:$0x2E30];
	v2 =	vadd.f32 v56, v2;
	v0 =	vadd.f32 v34, v0  }
0x128: {  	v1 =	vadd.f32 v57, v1;
	v8 =	vadd.f32 v42, v8  }
0x129: {  	v2 =	vadd.f32 v58, v2;
	v0 =	vadd.f32 v35, v0  }
.Ltmp6:
0x12a: {  	v1 =	vadd.f32 v59, v1;
	v62 =	vadd.f32 v43, v8;
	(pc) =	sbr.rel .LBB2_7-.Ltmp6, $4  }
0x12b: {  	v63 =	vadd.f32 v60, v2;
	[tilespmem:$0x2900] =	vst v0  }
0x12c: {  	v1 =	vadd.f32 v61, v1;
	[tilespmem:$0x2910] =	vst v62  }
0x12d: {  	[tilespmem:$0x2920] =	vst v63  }
0x12e: {  	[tilespmem:$0x2930] =	vst v1  }
.LBB2_9:
0x12f: {  	_ =	sfence.sel $0x180000  }
0x130: {  	[bflag:$0x0] =	sbarrier.arrive $0xFFFF  }
0x131: {  	p0 =	sne.s32 s5, $0x0;
	_ =	strace $0x90000047  }
0x132: {  	s0 =	sadd.s32 @!p0 $0x100000, s0;
	[bflag:$0x2] =	sbarrier.arrive $0xFFFF  }
0x133: {  	[sflag:s0] =	ssyncadd.tile.s32 @!p0 $0x1;
	_ =	shalt  }
.Lfunc_end2:
_tile_overlayer_lowered:
.L_overlay_start_2:
0x134: {  	(tag) =	ssettag $0x2  }
0x135: {  	s0 =	rddreg [dreg:$0x0];
	s2 =	stileid.u32  }
0x136: {  	s1 =	rddreg [dreg:$0x1];
	p0 =	sne.s32 s2, $0x0  }
0x137: {  	s3 =	rddreg [dreg:$0x2];
	[bflag:$0x3] =	sbarrier.arrive $0xFFFF;
	s2 =	simm.s32 @!p0 $0x1C01  }
0x138: {  	[timem:s3], [sflag:s2] =	dma.local @!p0 [hbm:s0], s1  }
0x139: {  	s0 =	simm.s32 @!p0 $0x1  }
0x13a: {  	_ =	swait.ge @!p0 [sflag:s0], s1  }
0x13b: {  	s1 =	ssub.s32 @!p0 $0x0, s1;
	[sflag:s0] =	ssyncset.done @!p0 $0x0  }
0x13c: {  	[sflag:s0] =	ssyncadd.s32 @!p0 s1  }
0x13d: {  	[bflag:$0x3] =	sbarrier.arrive $0xFFFF  }
0x13e: {  	_ =	shalt  }

</sc_bundles>
